<compile_context>
chip_gen: v7x
topology: tpu7x:2x2x1
jax: 0.10.2.dev20260603
libtpu: 0.0.44.dev20260713+nightly
codegen_flags: <defaults>
</compile_context>

<pallas_src>
import jax
import jax.numpy as jnp
from jax import lax
from jax.experimental import pallas as pl
from jax.experimental.pallas import tpu as pltpu
from jax.experimental.pallas import tpu_sc as plsc

NUM_CORES = 2
NUM_SUBCORES = 16
LANES = 16
NW = NUM_CORES * NUM_SUBCORES

BATCH = 16384
EMBED_DIM = 64
B_PER_W = BATCH // NW
WIN = 128
NBUF = 6


def _window_copy(tab_hbm, bufs, slot, col, sem):
    start = pl.multiple_of((col >> 7) << 7, WIN)
    return pltpu.async_copy(tab_hbm.at[:, pl.ds(start, WIN)], bufs.at[slot],
                            sem)


def _body(user_ids_hbm, item_ids_hbm, ut_hbm, it_hbm, out_hbm,
          uidx_v, iidx_v, ubufs, ibufs, out_v, sem_u, sem_i):
    wid = lax.axis_index("s") * NUM_CORES + lax.axis_index("c")
    base = wid * B_PER_W

    pltpu.sync_copy(user_ids_hbm.at[pl.ds(base, B_PER_W)],
                    uidx_v.at[pl.ds(0, B_PER_W)])
    pltpu.sync_copy(item_ids_hbm.at[pl.ds(base, B_PER_W)],
                    iidx_v.at[pl.ds(0, B_PER_W)])

    lane = lax.iota(jnp.int32, LANES)

    def ids_at(b):
        return uidx_v[pl.ds(b, LANES)][0], iidx_v[pl.ds(b, LANES)][0]

    for b in range(NBUF - 1):
        uid, iid = ids_at(b)
        _window_copy(ut_hbm, ubufs, b, uid, sem_u)
        _window_copy(it_hbm, ibufs, b, iid, sem_i)

    def b_body(b, out16):
        p = lax.rem(b, NBUF)
        pltpu.make_async_copy(ut_hbm.at[:, pl.ds(0, WIN)], ubufs.at[p],
                              sem_u).wait()
        pltpu.make_async_copy(it_hbm.at[:, pl.ds(0, WIN)], ibufs.at[p],
                              sem_i).wait()

        bn = b + NBUF - 1

        @pl.when(bn < B_PER_W)
        def _():
            uid_n, iid_n = ids_at(bn)
            pn = lax.rem(bn, NBUF)
            _window_copy(ut_hbm, ubufs, pn, uid_n, sem_u)
            _window_copy(it_hbm, ibufs, pn, iid_n, sem_i)

        uid, iid = ids_at(b)
        uoff = jnp.full((LANES,), uid & (WIN - 1), jnp.int32)
        ioff = jnp.full((LANES,), iid & (WIN - 1), jnp.int32)
        pv = jnp.full((LANES,), p, jnp.int32)
        acc = jnp.zeros((LANES,), jnp.float32)
        for jc in range(EMBED_DIM // LANES):
            jrow = jc * LANES + lane
            u = plsc.load_gather(ubufs, [pv, jrow, uoff])
            iv = plsc.load_gather(ibufs, [pv, jrow, ioff])
            acc += u * iv

        l = b & (LANES - 1)
        out16 = jnp.where(l == 0, jnp.zeros((LANES,), jnp.float32), out16)
        out16 = jnp.where(lane == l, jnp.sum(acc), out16)

        @pl.when(l == LANES - 1)
        def _():
            out_v[pl.ds(b - (LANES - 1), LANES)] = out16

        return out16

    lax.fori_loop(0, B_PER_W, b_body, jnp.zeros((LANES,), jnp.float32))

    pltpu.sync_copy(out_v, out_hbm.at[pl.ds(base, B_PER_W)])


@jax.jit
def _bprmf_score(user_ids, item_ids, user_table, item_table):
    mesh = plsc.VectorSubcoreMesh(core_axis_name="c", subcore_axis_name="s",
                                  num_cores=NUM_CORES,
                                  num_subcores=NUM_SUBCORES)
    return pl.kernel(
        _body,
        out_type=jax.ShapeDtypeStruct((BATCH,), jnp.float32),
        mesh=mesh,
        compiler_params=pltpu.CompilerParams(needs_layout_passes=False),
        scratch_types=[
            pltpu.VMEM((B_PER_W + LANES,), jnp.int32),
            pltpu.VMEM((B_PER_W + LANES,), jnp.int32),
            pltpu.VMEM((NBUF, EMBED_DIM, WIN), jnp.float32),
            pltpu.VMEM((NBUF, EMBED_DIM, WIN), jnp.float32),
            pltpu.VMEM((B_PER_W,), jnp.float32),
            pltpu.SemaphoreType.DMA,
            pltpu.SemaphoreType.DMA,
        ],
    )(user_ids, item_ids, user_table.T, item_table.T)


def kernel(user_ids, item_ids, user_table, item_table):
    return _bprmf_score(user_ids.astype(jnp.int32), item_ids.astype(jnp.int32),
                        user_table, item_table)

# --- scband reference (transcript-rebuilt; emitter-appended) ---
"""Pipeline reference for scband-bprmf-87909390614815 (READ-ONLY COPY).

The authoritative reference and input builder live on the scoring server;
editing this copy changes nothing except your own understanding.
"""

import jax, jax.numpy as jnp
import numpy as np

NUM_USERS = 1000000
NUM_ITEMS = 1000000
EMBED_DIM = 64
BATCH = 16384

def setup_inputs(seed: int = 0) -> dict:
    key = jax.random.key(seed)
    k1, k2, k3, k4 = jax.random.split(key, 4)
    user_ids = jax.random.randint(k1, (BATCH,), 0, NUM_USERS, dtype=jnp.int64 if jax.config.jax_enable_x64 else jnp.int32)
    item_ids = jax.random.randint(k2, (BATCH,), 0, NUM_ITEMS, dtype=jnp.int64 if jax.config.jax_enable_x64 else jnp.int32)
    user_table = jax.random.normal(k3, (NUM_USERS, EMBED_DIM), dtype=jnp.float32) * 0.02
    item_table = jax.random.normal(k4, (NUM_ITEMS + 1, EMBED_DIM), dtype=jnp.float32) * 0.02
    item_table = item_table.at[0].set(0.0)  # padding_idx=0
    return {"user_ids": user_ids, "item_ids": item_ids, "user_table": user_table, "item_table": item_table}

def reference(user_ids, item_ids, user_table, item_table):
    # BPRMF.score: dot product of user and item embeddings
    u = jnp.take(user_table, user_ids, axis=0)   # [B, D] gather
    i = jnp.take(item_table, item_ids, axis=0)   # [B, D] gather
    return (u * i).sum(axis=-1)                  # [B]

if __name__ == "__main__":
    import jax
    _d = setup_inputs()
    print(jax.jit(kernel)(*tuple(_d.values())))

</pallas_src>

<mosaic_0001>
#map = affine_map<(d0, d1) -> (0)>
#map1 = affine_map<(d0, d1) -> (0, 0)>
module attributes {stable_mosaic.version = 14 : i64} {
  func.func @_body(%arg0: i32, %arg1: i32, %arg2: memref<16384xi32, #tpu.memory_space<hbm>>, %arg3: memref<16384xi32, #tpu.memory_space<hbm>>, %arg4: memref<64x1000000xf32, #tpu.memory_space<hbm>>, %arg5: memref<64x1000001xf32, #tpu.memory_space<hbm>>, %arg6: memref<16384xf32, #tpu.memory_space<hbm>>, %arg7: memref<528xi32, #tpu.memory_space<vmem>>, %arg8: memref<528xi32, #tpu.memory_space<vmem>>, %arg9: memref<6x64x128xf32, #tpu.memory_space<vmem>>, %arg10: memref<6x64x128xf32, #tpu.memory_space<vmem>>, %arg11: memref<512xf32, #tpu.memory_space<vmem>>, %arg12: memref<!tpu.dma_semaphore, #tpu.memory_space<semaphore_mem>>, %arg13: memref<!tpu.dma_semaphore, #tpu.memory_space<semaphore_mem>>) attributes {dimension_semantics = [#tpu.dimension_semantics<core_parallel>, #tpu.dimension_semantics<subcore_parallel>], iteration_bounds = array<i64: 2, 16>, scalar_prefetch = 0 : i64, scratch_operands = 7 : i64, tpu.core_type = #tpu.core_type<sc_vector_subcore>, window_params = [{transform_indices = #map}, {transform_indices = #map}, {transform_indices = #map1}, {transform_indices = #map1}, {transform_indices = #map}]} {
    %mul3A = arith.constant 2 : i32
    %mul3A_0 = arith.muli %arg1, %mul3A : i32
    %add3A = arith.addi %mul3A_0, %arg0 : i32
    %mul3A_1 = arith.constant 512 : i32
    %mul3A_2 = arith.muli %add3A, %mul3A_1 : i32
    "tpu.region"() ({
      %run_scoped3A = tpu.sem_alloc : memref<!tpu.dma_semaphore, #tpu.memory_space<semaphore_mem>>
      %dma_start3A_222 = arith.constant 0 : i32
      %dma_start3A_223 = tpu.memref_slice %arg7[%dma_start3A_222] : memref<528xi32, #tpu.memory_space<vmem>> -> memref<512xi32, #tpu.memory_space<vmem>>
      %dma_start3A_224 = tpu.memref_slice %arg2[%mul3A_2] : memref<16384xi32, #tpu.memory_space<hbm>> -> memref<512xi32, #tpu.memory_space<hbm>>
      %dma_start3A_225 = arith.constant 0 : i32
      %dma_start3A_226 = tpu.memref_slice %arg7[%dma_start3A_225] : memref<528xi32, #tpu.memory_space<vmem>> -> memref<512xi32, #tpu.memory_space<vmem>>
      %dma_start3A_227 = tpu.memref_slice %arg2[%mul3A_2] : memref<16384xi32, #tpu.memory_space<hbm>> -> memref<512xi32, #tpu.memory_space<hbm>>
      tpu.enqueue_dma source(%dma_start3A_227 : memref<512xi32, #tpu.memory_space<hbm>>) target(%dma_start3A_226 : memref<512xi32, #tpu.memory_space<vmem>>) target_semaphore(%run_scoped3A : memref<!tpu.dma_semaphore, #tpu.memory_space<semaphore_mem>>)
      %dma_wait3A = arith.constant 0 : i32
      %dma_wait3A_228 = tpu.memref_slice %arg7[%dma_wait3A] : memref<528xi32, #tpu.memory_space<vmem>> -> memref<512xi32, #tpu.memory_space<vmem>>
      %dma_wait3A_229 = tpu.memref_slice %arg2[%mul3A_2] : memref<16384xi32, #tpu.memory_space<hbm>> -> memref<512xi32, #tpu.memory_space<hbm>>
      %dma_wait3A_230 = arith.constant 0 : i32
      %dma_wait3A_231 = tpu.memref_slice %arg7[%dma_wait3A_230] : memref<528xi32, #tpu.memory_space<vmem>> -> memref<512xi32, #tpu.memory_space<vmem>>
      %dma_wait3A_232 = tpu.memref_slice %arg2[%mul3A_2] : memref<16384xi32, #tpu.memory_space<hbm>> -> memref<512xi32, #tpu.memory_space<hbm>>
      tpu.wait_dma2 semaphore(%run_scoped3A : memref<!tpu.dma_semaphore, #tpu.memory_space<semaphore_mem>>) src(%dma_wait3A_232 : memref<512xi32, #tpu.memory_space<hbm>>) dst(%dma_wait3A_231 : memref<512xi32, #tpu.memory_space<vmem>>)
      tpu.yield
    }) : () -> ()
    "tpu.region"() ({
      %run_scoped3A = tpu.sem_alloc : memref<!tpu.dma_semaphore, #tpu.memory_space<semaphore_mem>>
      %dma_start3A_222 = arith.constant 0 : i32
      %dma_start3A_223 = tpu.memref_slice %arg8[%dma_start3A_222] : memref<528xi32, #tpu.memory_space<vmem>> -> memref<512xi32, #tpu.memory_space<vmem>>
      %dma_start3A_224 = tpu.memref_slice %arg3[%mul3A_2] : memref<16384xi32, #tpu.memory_space<hbm>> -> memref<512xi32, #tpu.memory_space<hbm>>
      %dma_start3A_225 = arith.constant 0 : i32
      %dma_start3A_226 = tpu.memref_slice %arg8[%dma_start3A_225] : memref<528xi32, #tpu.memory_space<vmem>> -> memref<512xi32, #tpu.memory_space<vmem>>
      %dma_start3A_227 = tpu.memref_slice %arg3[%mul3A_2] : memref<16384xi32, #tpu.memory_space<hbm>> -> memref<512xi32, #tpu.memory_space<hbm>>
      tpu.enqueue_dma source(%dma_start3A_227 : memref<512xi32, #tpu.memory_space<hbm>>) target(%dma_start3A_226 : memref<512xi32, #tpu.memory_space<vmem>>) target_semaphore(%run_scoped3A : memref<!tpu.dma_semaphore, #tpu.memory_space<semaphore_mem>>)
      %dma_wait3A = arith.constant 0 : i32
      %dma_wait3A_228 = tpu.memref_slice %arg8[%dma_wait3A] : memref<528xi32, #tpu.memory_space<vmem>> -> memref<512xi32, #tpu.memory_space<vmem>>
      %dma_wait3A_229 = tpu.memref_slice %arg3[%mul3A_2] : memref<16384xi32, #tpu.memory_space<hbm>> -> memref<512xi32, #tpu.memory_space<hbm>>
      %dma_wait3A_230 = arith.constant 0 : i32
      %dma_wait3A_231 = tpu.memref_slice %arg8[%dma_wait3A_230] : memref<528xi32, #tpu.memory_space<vmem>> -> memref<512xi32, #tpu.memory_space<vmem>>
      %dma_wait3A_232 = tpu.memref_slice %arg3[%mul3A_2] : memref<16384xi32, #tpu.memory_space<hbm>> -> memref<512xi32, #tpu.memory_space<hbm>>
      tpu.wait_dma2 semaphore(%run_scoped3A : memref<!tpu.dma_semaphore, #tpu.memory_space<semaphore_mem>>) src(%dma_wait3A_232 : memref<512xi32, #tpu.memory_space<hbm>>) dst(%dma_wait3A_231 : memref<512xi32, #tpu.memory_space<vmem>>)
      tpu.yield
    }) : () -> ()
    %iota3A = tpu.iota {dimensions = array<i32: 0>} : vector<16xi32>
    %get3A = arith.constant 0 : index
    %get3A_3 = tpu.vector_load %arg7[%get3A] {strides = array<i32>} : memref<528xi32, #tpu.memory_space<vmem>>, vector<16xi32>,
    %slice3A = vector.extract_strided_slice %get3A_3 {offsets = [0], sizes = [1], strides = [1]} : vector<16xi32> to vector<1xi32>
    %squeeze3A = vector.extract %slice3A[0] : i32 from vector<1xi32>
    %get3A_4 = arith.constant 0 : index
    %get3A_5 = tpu.vector_load %arg8[%get3A_4] {strides = array<i32>} : memref<528xi32, #tpu.memory_space<vmem>>, vector<16xi32>,
    %slice3A_6 = vector.extract_strided_slice %get3A_5 {offsets = [0], sizes = [1], strides = [1]} : vector<16xi32> to vector<1xi32>
    %squeeze3A_7 = vector.extract %slice3A_6[0] : i32 from vector<1xi32>
    %shift_right_arithmetic3A = arith.constant 7 : i32
    %shift_right_arithmetic3A_8 = arith.shrsi %squeeze3A, %shift_right_arithmetic3A : i32
    %shift_left3A = arith.constant 7 : i32
    %shift_left3A_9 = arith.shli %shift_right_arithmetic3A_8, %shift_left3A : i32
    %multiple_of3A = tpu.assume_multiple %shift_left3A_9, 128 : i32
    %dma_start3A = arith.constant 0 : i32
    %dma_start3A_10 = arith.constant 0 : i32
    %dma_start3A_11 = arith.constant 0 : i32
    %dma_start3A_12 = tpu.memref_slice %arg9[%dma_start3A, %dma_start3A_10, %dma_start3A_11] : memref<6x64x128xf32, #tpu.memory_space<vmem>> -> memref<1x64x128xf32, #tpu.memory_space<vmem>>
    %dma_start3A_13 = tpu.memref_squeeze %dma_start3A_12 : memref<1x64x128xf32, #tpu.memory_space<vmem>> -> memref<64x128xf32, #tpu.memory_space<vmem>>
    %dma_start3A_14 = arith.constant 0 : i32
    %dma_start3A_15 = tpu.memref_slice %arg4[%dma_start3A_14, %multiple_of3A] : memref<64x1000000xf32, #tpu.memory_space<hbm>> -> memref<64x128xf32, #tpu.memory_space<hbm>>
    %dma_start3A_16 = arith.constant 0 : i32
    %dma_start3A_17 = arith.constant 0 : i32
    %dma_start3A_18 = tpu.memref_slice %arg9[%dma_start3A, %dma_start3A_16, %dma_start3A_17] : memref<6x64x128xf32, #tpu.memory_space<vmem>> -> memref<1x64x128xf32, #tpu.memory_space<vmem>>
    %dma_start3A_19 = tpu.memref_squeeze %dma_start3A_18 : memref<1x64x128xf32, #tpu.memory_space<vmem>> -> memref<64x128xf32, #tpu.memory_space<vmem>>
    %dma_start3A_20 = arith.constant 0 : i32
    %dma_start3A_21 = tpu.memref_slice %arg4[%dma_start3A_20, %multiple_of3A] : memref<64x1000000xf32, #tpu.memory_space<hbm>> -> memref<64x128xf32, #tpu.memory_space<hbm>>
    tpu.enqueue_dma source(%dma_start3A_21 : memref<64x128xf32, #tpu.memory_space<hbm>>) target(%dma_start3A_19 : memref<64x128xf32, #tpu.memory_space<vmem>>) target_semaphore(%arg12 : memref<!tpu.dma_semaphore, #tpu.memory_space<semaphore_mem>>)
    %shift_right_arithmetic3A_22 = arith.constant 7 : i32
    %shift_right_arithmetic3A_23 = arith.shrsi %squeeze3A_7, %shift_right_arithmetic3A_22 : i32
    %shift_left3A_24 = arith.constant 7 : i32
    %shift_left3A_25 = arith.shli %shift_right_arithmetic3A_23, %shift_left3A_24 : i32
    %multiple_of3A_26 = tpu.assume_multiple %shift_left3A_25, 128 : i32
    %dma_start3A_27 = arith.constant 0 : i32
    %dma_start3A_28 = arith.constant 0 : i32
    %dma_start3A_29 = arith.constant 0 : i32
    %dma_start3A_30 = tpu.memref_slice %arg10[%dma_start3A_27, %dma_start3A_28, %dma_start3A_29] : memref<6x64x128xf32, #tpu.memory_space<vmem>> -> memref<1x64x128xf32, #tpu.memory_space<vmem>>
    %dma_start3A_31 = tpu.memref_squeeze %dma_start3A_30 : memref<1x64x128xf32, #tpu.memory_space<vmem>> -> memref<64x128xf32, #tpu.memory_space<vmem>>
    %dma_start3A_32 = arith.constant 0 : i32
    %dma_start3A_33 = tpu.memref_slice %arg5[%dma_start3A_32, %multiple_of3A_26] : memref<64x1000001xf32, #tpu.memory_space<hbm>> -> memref<64x128xf32, #tpu.memory_space<hbm>>
    %dma_start3A_34 = arith.constant 0 : i32
    %dma_start3A_35 = arith.constant 0 : i32
    %dma_start3A_36 = tpu.memref_slice %arg10[%dma_start3A_27, %dma_start3A_34, %dma_start3A_35] : memref<6x64x128xf32, #tpu.memory_space<vmem>> -> memref<1x64x128xf32, #tpu.memory_space<vmem>>
    %dma_start3A_37 = tpu.memref_squeeze %dma_start3A_36 : memref<1x64x128xf32, #tpu.memory_space<vmem>> -> memref<64x128xf32, #tpu.memory_space<vmem>>
    %dma_start3A_38 = arith.constant 0 : i32
    %dma_start3A_39 = tpu.memref_slice %arg5[%dma_start3A_38, %multiple_of3A_26] : memref<64x1000001xf32, #tpu.memory_space<hbm>> -> memref<64x128xf32, #tpu.memory_space<hbm>>
    tpu.enqueue_dma source(%dma_start3A_39 : memref<64x128xf32, #tpu.memory_space<hbm>>) target(%dma_start3A_37 : memref<64x128xf32, #tpu.memory_space<vmem>>) target_semaphore(%arg13 : memref<!tpu.dma_semaphore, #tpu.memory_space<semaphore_mem>>)
    %get3A_40 = arith.constant 1 : index
    %get3A_41 = tpu.vector_load %arg7[%get3A_40] {strides = array<i32>} : memref<528xi32, #tpu.memory_space<vmem>>, vector<16xi32>,
    %slice3A_42 = vector.extract_strided_slice %get3A_41 {offsets = [0], sizes = [1], strides = [1]} : vector<16xi32> to vector<1xi32>
    %squeeze3A_43 = vector.extract %slice3A_42[0] : i32 from vector<1xi32>
    %get3A_44 = arith.constant 1 : index
    %get3A_45 = tpu.vector_load %arg8[%get3A_44] {strides = array<i32>} : memref<528xi32, #tpu.memory_space<vmem>>, vector<16xi32>,
    %slice3A_46 = vector.extract_strided_slice %get3A_45 {offsets = [0], sizes = [1], strides = [1]} : vector<16xi32> to vector<1xi32>
    %squeeze3A_47 = vector.extract %slice3A_46[0] : i32 from vector<1xi32>
    %shift_right_arithmetic3A_48 = arith.constant 7 : i32
    %shift_right_arithmetic3A_49 = arith.shrsi %squeeze3A_43, %shift_right_arithmetic3A_48 : i32
    %shift_left3A_50 = arith.constant 7 : i32
    %shift_left3A_51 = arith.shli %shift_right_arithmetic3A_49, %shift_left3A_50 : i32
    %multiple_of3A_52 = tpu.assume_multiple %shift_left3A_51, 128 : i32
    %dma_start3A_53 = arith.constant 1 : i32
    %dma_start3A_54 = arith.constant 0 : i32
    %dma_start3A_55 = arith.constant 0 : i32
    %dma_start3A_56 = tpu.memref_slice %arg9[%dma_start3A_53, %dma_start3A_54, %dma_start3A_55] : memref<6x64x128xf32, #tpu.memory_space<vmem>> -> memref<1x64x128xf32, #tpu.memory_space<vmem>>
    %dma_start3A_57 = tpu.memref_squeeze %dma_start3A_56 : memref<1x64x128xf32, #tpu.memory_space<vmem>> -> memref<64x128xf32, #tpu.memory_space<vmem>>
    %dma_start3A_58 = arith.constant 0 : i32
    %dma_start3A_59 = tpu.memref_slice %arg4[%dma_start3A_58, %multiple_of3A_52] : memref<64x1000000xf32, #tpu.memory_space<hbm>> -> memref<64x128xf32, #tpu.memory_space<hbm>>
    %dma_start3A_60 = arith.constant 0 : i32
    %dma_start3A_61 = arith.constant 0 : i32
    %dma_start3A_62 = tpu.memref_slice %arg9[%dma_start3A_53, %dma_start3A_60, %dma_start3A_61] : memref<6x64x128xf32, #tpu.memory_space<vmem>> -> memref<1x64x128xf32, #tpu.memory_space<vmem>>
    %dma_start3A_63 = tpu.memref_squeeze %dma_start3A_62 : memref<1x64x128xf32, #tpu.memory_space<vmem>> -> memref<64x128xf32, #tpu.memory_space<vmem>>
    %dma_start3A_64 = arith.constant 0 : i32
    %dma_start3A_65 = tpu.memref_slice %arg4[%dma_start3A_64, %multiple_of3A_52] : memref<64x1000000xf32, #tpu.memory_space<hbm>> -> memref<64x128xf32, #tpu.memory_space<hbm>>
    tpu.enqueue_dma source(%dma_start3A_65 : memref<64x128xf32, #tpu.memory_space<hbm>>) target(%dma_start3A_63 : memref<64x128xf32, #tpu.memory_space<vmem>>) target_semaphore(%arg12 : memref<!tpu.dma_semaphore, #tpu.memory_space<semaphore_mem>>)
    %shift_right_arithmetic3A_66 = arith.constant 7 : i32
    %shift_right_arithmetic3A_67 = arith.shrsi %squeeze3A_47, %shift_right_arithmetic3A_66 : i32
    %shift_left3A_68 = arith.constant 7 : i32
    %shift_left3A_69 = arith.shli %shift_right_arithmetic3A_67, %shift_left3A_68 : i32
    %multiple_of3A_70 = tpu.assume_multiple %shift_left3A_69, 128 : i32
    %dma_start3A_71 = arith.constant 1 : i32
    %dma_start3A_72 = arith.constant 0 : i32
    %dma_start3A_73 = arith.constant 0 : i32
    %dma_start3A_74 = tpu.memref_slice %arg10[%dma_start3A_71, %dma_start3A_72, %dma_start3A_73] : memref<6x64x128xf32, #tpu.memory_space<vmem>> -> memref<1x64x128xf32, #tpu.memory_space<vmem>>
    %dma_start3A_75 = tpu.memref_squeeze %dma_start3A_74 : memref<1x64x128xf32, #tpu.memory_space<vmem>> -> memref<64x128xf32, #tpu.memory_space<vmem>>
    %dma_start3A_76 = arith.constant 0 : i32
    %dma_start3A_77 = tpu.memref_slice %arg5[%dma_start3A_76, %multiple_of3A_70] : memref<64x1000001xf32, #tpu.memory_space<hbm>> -> memref<64x128xf32, #tpu.memory_space<hbm>>
    %dma_start3A_78 = arith.constant 0 : i32
    %dma_start3A_79 = arith.constant 0 : i32
    %dma_start3A_80 = tpu.memref_slice %arg10[%dma_start3A_71, %dma_start3A_78, %dma_start3A_79] : memref<6x64x128xf32, #tpu.memory_space<vmem>> -> memref<1x64x128xf32, #tpu.memory_space<vmem>>
    %dma_start3A_81 = tpu.memref_squeeze %dma_start3A_80 : memref<1x64x128xf32, #tpu.memory_space<vmem>> -> memref<64x128xf32, #tpu.memory_space<vmem>>
    %dma_start3A_82 = arith.constant 0 : i32
    %dma_start3A_83 = tpu.memref_slice %arg5[%dma_start3A_82, %multiple_of3A_70] : memref<64x1000001xf32, #tpu.memory_space<hbm>> -> memref<64x128xf32, #tpu.memory_space<hbm>>
    tpu.enqueue_dma source(%dma_start3A_83 : memref<64x128xf32, #tpu.memory_space<hbm>>) target(%dma_start3A_81 : memref<64x128xf32, #tpu.memory_space<vmem>>) target_semaphore(%arg13 : memref<!tpu.dma_semaphore, #tpu.memory_space<semaphore_mem>>)
    %get3A_84 = arith.constant 2 : index
    %get3A_85 = tpu.vector_load %arg7[%get3A_84] {strides = array<i32>} : memref<528xi32, #tpu.memory_space<vmem>>, vector<16xi32>,
    %slice3A_86 = vector.extract_strided_slice %get3A_85 {offsets = [0], sizes = [1], strides = [1]} : vector<16xi32> to vector<1xi32>
    %squeeze3A_87 = vector.extract %slice3A_86[0] : i32 from vector<1xi32>
    %get3A_88 = arith.constant 2 : index
    %get3A_89 = tpu.vector_load %arg8[%get3A_88] {strides = array<i32>} : memref<528xi32, #tpu.memory_space<vmem>>, vector<16xi32>,
    %slice3A_90 = vector.extract_strided_slice %get3A_89 {offsets = [0], sizes = [1], strides = [1]} : vector<16xi32> to vector<1xi32>
    %squeeze3A_91 = vector.extract %slice3A_90[0] : i32 from vector<1xi32>
    %shift_right_arithmetic3A_92 = arith.constant 7 : i32
    %shift_right_arithmetic3A_93 = arith.shrsi %squeeze3A_87, %shift_right_arithmetic3A_92 : i32
    %shift_left3A_94 = arith.constant 7 : i32
    %shift_left3A_95 = arith.shli %shift_right_arithmetic3A_93, %shift_left3A_94 : i32
    %multiple_of3A_96 = tpu.assume_multiple %shift_left3A_95, 128 : i32
    %dma_start3A_97 = arith.constant 2 : i32
    %dma_start3A_98 = arith.constant 0 : i32
    %dma_start3A_99 = arith.constant 0 : i32
    %dma_start3A_100 = tpu.memref_slice %arg9[%dma_start3A_97, %dma_start3A_98, %dma_start3A_99] : memref<6x64x128xf32, #tpu.memory_space<vmem>> -> memref<1x64x128xf32, #tpu.memory_space<vmem>>
    %dma_start3A_101 = tpu.memref_squeeze %dma_start3A_100 : memref<1x64x128xf32, #tpu.memory_space<vmem>> -> memref<64x128xf32, #tpu.memory_space<vmem>>
    %dma_start3A_102 = arith.constant 0 : i32
    %dma_start3A_103 = tpu.memref_slice %arg4[%dma_start3A_102, %multiple_of3A_96] : memref<64x1000000xf32, #tpu.memory_space<hbm>> -> memref<64x128xf32, #tpu.memory_space<hbm>>
    %dma_start3A_104 = arith.constant 0 : i32
    %dma_start3A_105 = arith.constant 0 : i32
    %dma_start3A_106 = tpu.memref_slice %arg9[%dma_start3A_97, %dma_start3A_104, %dma_start3A_105] : memref<6x64x128xf32, #tpu.memory_space<vmem>> -> memref<1x64x128xf32, #tpu.memory_space<vmem>>
    %dma_start3A_107 = tpu.memref_squeeze %dma_start3A_106 : memref<1x64x128xf32, #tpu.memory_space<vmem>> -> memref<64x128xf32, #tpu.memory_space<vmem>>
    %dma_start3A_108 = arith.constant 0 : i32
    %dma_start3A_109 = tpu.memref_slice %arg4[%dma_start3A_108, %multiple_of3A_96] : memref<64x1000000xf32, #tpu.memory_space<hbm>> -> memref<64x128xf32, #tpu.memory_space<hbm>>
    tpu.enqueue_dma source(%dma_start3A_109 : memref<64x128xf32, #tpu.memory_space<hbm>>) target(%dma_start3A_107 : memref<64x128xf32, #tpu.memory_space<vmem>>) target_semaphore(%arg12 : memref<!tpu.dma_semaphore, #tpu.memory_space<semaphore_mem>>)
    %shift_right_arithmetic3A_110 = arith.constant 7 : i32
    %shift_right_arithmetic3A_111 = arith.shrsi %squeeze3A_91, %shift_right_arithmetic3A_110 : i32
    %shift_left3A_112 = arith.constant 7 : i32
    %shift_left3A_113 = arith.shli %shift_right_arithmetic3A_111, %shift_left3A_112 : i32
    %multiple_of3A_114 = tpu.assume_multiple %shift_left3A_113, 128 : i32
    %dma_start3A_115 = arith.constant 2 : i32
    %dma_start3A_116 = arith.constant 0 : i32
    %dma_start3A_117 = arith.constant 0 : i32
    %dma_start3A_118 = tpu.memref_slice %arg10[%dma_start3A_115, %dma_start3A_116, %dma_start3A_117] : memref<6x64x128xf32, #tpu.memory_space<vmem>> -> memref<1x64x128xf32, #tpu.memory_space<vmem>>
    %dma_start3A_119 = tpu.memref_squeeze %dma_start3A_118 : memref<1x64x128xf32, #tpu.memory_space<vmem>> -> memref<64x128xf32, #tpu.memory_space<vmem>>
    %dma_start3A_120 = arith.constant 0 : i32
    %dma_start3A_121 = tpu.memref_slice %arg5[%dma_start3A_120, %multiple_of3A_114] : memref<64x1000001xf32, #tpu.memory_space<hbm>> -> memref<64x128xf32, #tpu.memory_space<hbm>>
    %dma_start3A_122 = arith.constant 0 : i32
    %dma_start3A_123 = arith.constant 0 : i32
    %dma_start3A_124 = tpu.memref_slice %arg10[%dma_start3A_115, %dma_start3A_122, %dma_start3A_123] : memref<6x64x128xf32, #tpu.memory_space<vmem>> -> memref<1x64x128xf32, #tpu.memory_space<vmem>>
    %dma_start3A_125 = tpu.memref_squeeze %dma_start3A_124 : memref<1x64x128xf32, #tpu.memory_space<vmem>> -> memref<64x128xf32, #tpu.memory_space<vmem>>
    %dma_start3A_126 = arith.constant 0 : i32
    %dma_start3A_127 = tpu.memref_slice %arg5[%dma_start3A_126, %multiple_of3A_114] : memref<64x1000001xf32, #tpu.memory_space<hbm>> -> memref<64x128xf32, #tpu.memory_space<hbm>>
    tpu.enqueue_dma source(%dma_start3A_127 : memref<64x128xf32, #tpu.memory_space<hbm>>) target(%dma_start3A_125 : memref<64x128xf32, #tpu.memory_space<vmem>>) target_semaphore(%arg13 : memref<!tpu.dma_semaphore, #tpu.memory_space<semaphore_mem>>)
    %get3A_128 = arith.constant 3 : index
    %get3A_129 = tpu.vector_load %arg7[%get3A_128] {strides = array<i32>} : memref<528xi32, #tpu.memory_space<vmem>>, vector<16xi32>,
    %slice3A_130 = vector.extract_strided_slice %get3A_129 {offsets = [0], sizes = [1], strides = [1]} : vector<16xi32> to vector<1xi32>
    %squeeze3A_131 = vector.extract %slice3A_130[0] : i32 from vector<1xi32>
    %get3A_132 = arith.constant 3 : index
    %get3A_133 = tpu.vector_load %arg8[%get3A_132] {strides = array<i32>} : memref<528xi32, #tpu.memory_space<vmem>>, vector<16xi32>,
    %slice3A_134 = vector.extract_strided_slice %get3A_133 {offsets = [0], sizes = [1], strides = [1]} : vector<16xi32> to vector<1xi32>
    %squeeze3A_135 = vector.extract %slice3A_134[0] : i32 from vector<1xi32>
    %shift_right_arithmetic3A_136 = arith.constant 7 : i32
    %shift_right_arithmetic3A_137 = arith.shrsi %squeeze3A_131, %shift_right_arithmetic3A_136 : i32
    %shift_left3A_138 = arith.constant 7 : i32
    %shift_left3A_139 = arith.shli %shift_right_arithmetic3A_137, %shift_left3A_138 : i32
    %multiple_of3A_140 = tpu.assume_multiple %shift_left3A_139, 128 : i32
    %dma_start3A_141 = arith.constant 3 : i32
    %dma_start3A_142 = arith.constant 0 : i32
    %dma_start3A_143 = arith.constant 0 : i32
    %dma_start3A_144 = tpu.memref_slice %arg9[%dma_start3A_141, %dma_start3A_142, %dma_start3A_143] : memref<6x64x128xf32, #tpu.memory_space<vmem>> -> memref<1x64x128xf32, #tpu.memory_space<vmem>>
    %dma_start3A_145 = tpu.memref_squeeze %dma_start3A_144 : memref<1x64x128xf32, #tpu.memory_space<vmem>> -> memref<64x128xf32, #tpu.memory_space<vmem>>
    %dma_start3A_146 = arith.constant 0 : i32
    %dma_start3A_147 = tpu.memref_slice %arg4[%dma_start3A_146, %multiple_of3A_140] : memref<64x1000000xf32, #tpu.memory_space<hbm>> -> memref<64x128xf32, #tpu.memory_space<hbm>>
    %dma_start3A_148 = arith.constant 0 : i32
    %dma_start3A_149 = arith.constant 0 : i32
    %dma_start3A_150 = tpu.memref_slice %arg9[%dma_start3A_141, %dma_start3A_148, %dma_start3A_149] : memref<6x64x128xf32, #tpu.memory_space<vmem>> -> memref<1x64x128xf32, #tpu.memory_space<vmem>>
    %dma_start3A_151 = tpu.memref_squeeze %dma_start3A_150 : memref<1x64x128xf32, #tpu.memory_space<vmem>> -> memref<64x128xf32, #tpu.memory_space<vmem>>
    %dma_start3A_152 = arith.constant 0 : i32
    %dma_start3A_153 = tpu.memref_slice %arg4[%dma_start3A_152, %multiple_of3A_140] : memref<64x1000000xf32, #tpu.memory_space<hbm>> -> memref<64x128xf32, #tpu.memory_space<hbm>>
    tpu.enqueue_dma source(%dma_start3A_153 : memref<64x128xf32, #tpu.memory_space<hbm>>) target(%dma_start3A_151 : memref<64x128xf32, #tpu.memory_space<vmem>>) target_semaphore(%arg12 : memref<!tpu.dma_semaphore, #tpu.memory_space<semaphore_mem>>)
    %shift_right_arithmetic3A_154 = arith.constant 7 : i32
    %shift_right_arithmetic3A_155 = arith.shrsi %squeeze3A_135, %shift_right_arithmetic3A_154 : i32
    %shift_left3A_156 = arith.constant 7 : i32
    %shift_left3A_157 = arith.shli %shift_right_arithmetic3A_155, %shift_left3A_156 : i32
    %multiple_of3A_158 = tpu.assume_multiple %shift_left3A_157, 128 : i32
    %dma_start3A_159 = arith.constant 3 : i32
    %dma_start3A_160 = arith.constant 0 : i32
    %dma_start3A_161 = arith.constant 0 : i32
    %dma_start3A_162 = tpu.memref_slice %arg10[%dma_start3A_159, %dma_start3A_160, %dma_start3A_161] : memref<6x64x128xf32, #tpu.memory_space<vmem>> -> memref<1x64x128xf32, #tpu.memory_space<vmem>>
    %dma_start3A_163 = tpu.memref_squeeze %dma_start3A_162 : memref<1x64x128xf32, #tpu.memory_space<vmem>> -> memref<64x128xf32, #tpu.memory_space<vmem>>
    %dma_start3A_164 = arith.constant 0 : i32
    %dma_start3A_165 = tpu.memref_slice %arg5[%dma_start3A_164, %multiple_of3A_158] : memref<64x1000001xf32, #tpu.memory_space<hbm>> -> memref<64x128xf32, #tpu.memory_space<hbm>>
    %dma_start3A_166 = arith.constant 0 : i32
    %dma_start3A_167 = arith.constant 0 : i32
    %dma_start3A_168 = tpu.memref_slice %arg10[%dma_start3A_159, %dma_start3A_166, %dma_start3A_167] : memref<6x64x128xf32, #tpu.memory_space<vmem>> -> memref<1x64x128xf32, #tpu.memory_space<vmem>>
    %dma_start3A_169 = tpu.memref_squeeze %dma_start3A_168 : memref<1x64x128xf32, #tpu.memory_space<vmem>> -> memref<64x128xf32, #tpu.memory_space<vmem>>
    %dma_start3A_170 = arith.constant 0 : i32
    %dma_start3A_171 = tpu.memref_slice %arg5[%dma_start3A_170, %multiple_of3A_158] : memref<64x1000001xf32, #tpu.memory_space<hbm>> -> memref<64x128xf32, #tpu.memory_space<hbm>>
    tpu.enqueue_dma source(%dma_start3A_171 : memref<64x128xf32, #tpu.memory_space<hbm>>) target(%dma_start3A_169 : memref<64x128xf32, #tpu.memory_space<vmem>>) target_semaphore(%arg13 : memref<!tpu.dma_semaphore, #tpu.memory_space<semaphore_mem>>)
    %get3A_172 = arith.constant 4 : index
    %get3A_173 = tpu.vector_load %arg7[%get3A_172] {strides = array<i32>} : memref<528xi32, #tpu.memory_space<vmem>>, vector<16xi32>,
    %slice3A_174 = vector.extract_strided_slice %get3A_173 {offsets = [0], sizes = [1], strides = [1]} : vector<16xi32> to vector<1xi32>
    %squeeze3A_175 = vector.extract %slice3A_174[0] : i32 from vector<1xi32>
    %get3A_176 = arith.constant 4 : index
    %get3A_177 = tpu.vector_load %arg8[%get3A_176] {strides = array<i32>} : memref<528xi32, #tpu.memory_space<vmem>>, vector<16xi32>,
    %slice3A_178 = vector.extract_strided_slice %get3A_177 {offsets = [0], sizes = [1], strides = [1]} : vector<16xi32> to vector<1xi32>
    %squeeze3A_179 = vector.extract %slice3A_178[0] : i32 from vector<1xi32>
    %shift_right_arithmetic3A_180 = arith.constant 7 : i32
    %shift_right_arithmetic3A_181 = arith.shrsi %squeeze3A_175, %shift_right_arithmetic3A_180 : i32
    %shift_left3A_182 = arith.constant 7 : i32
    %shift_left3A_183 = arith.shli %shift_right_arithmetic3A_181, %shift_left3A_182 : i32
    %multiple_of3A_184 = tpu.assume_multiple %shift_left3A_183, 128 : i32
    %dma_start3A_185 = arith.constant 4 : i32
    %dma_start3A_186 = arith.constant 0 : i32
    %dma_start3A_187 = arith.constant 0 : i32
    %dma_start3A_188 = tpu.memref_slice %arg9[%dma_start3A_185, %dma_start3A_186, %dma_start3A_187] : memref<6x64x128xf32, #tpu.memory_space<vmem>> -> memref<1x64x128xf32, #tpu.memory_space<vmem>>
    %dma_start3A_189 = tpu.memref_squeeze %dma_start3A_188 : memref<1x64x128xf32, #tpu.memory_space<vmem>> -> memref<64x128xf32, #tpu.memory_space<vmem>>
    %dma_start3A_190 = arith.constant 0 : i32
    %dma_start3A_191 = tpu.memref_slice %arg4[%dma_start3A_190, %multiple_of3A_184] : memref<64x1000000xf32, #tpu.memory_space<hbm>> -> memref<64x128xf32, #tpu.memory_space<hbm>>
    %dma_start3A_192 = arith.constant 0 : i32
    %dma_start3A_193 = arith.constant 0 : i32
    %dma_start3A_194 = tpu.memref_slice %arg9[%dma_start3A_185, %dma_start3A_192, %dma_start3A_193] : memref<6x64x128xf32, #tpu.memory_space<vmem>> -> memref<1x64x128xf32, #tpu.memory_space<vmem>>
    %dma_start3A_195 = tpu.memref_squeeze %dma_start3A_194 : memref<1x64x128xf32, #tpu.memory_space<vmem>> -> memref<64x128xf32, #tpu.memory_space<vmem>>
    %dma_start3A_196 = arith.constant 0 : i32
    %dma_start3A_197 = tpu.memref_slice %arg4[%dma_start3A_196, %multiple_of3A_184] : memref<64x1000000xf32, #tpu.memory_space<hbm>> -> memref<64x128xf32, #tpu.memory_space<hbm>>
    tpu.enqueue_dma source(%dma_start3A_197 : memref<64x128xf32, #tpu.memory_space<hbm>>) target(%dma_start3A_195 : memref<64x128xf32, #tpu.memory_space<vmem>>) target_semaphore(%arg12 : memref<!tpu.dma_semaphore, #tpu.memory_space<semaphore_mem>>)
    %shift_right_arithmetic3A_198 = arith.constant 7 : i32
    %shift_right_arithmetic3A_199 = arith.shrsi %squeeze3A_179, %shift_right_arithmetic3A_198 : i32
    %shift_left3A_200 = arith.constant 7 : i32
    %shift_left3A_201 = arith.shli %shift_right_arithmetic3A_199, %shift_left3A_200 : i32
    %multiple_of3A_202 = tpu.assume_multiple %shift_left3A_201, 128 : i32
    %dma_start3A_203 = arith.constant 4 : i32
    %dma_start3A_204 = arith.constant 0 : i32
    %dma_start3A_205 = arith.constant 0 : i32
    %dma_start3A_206 = tpu.memref_slice %arg10[%dma_start3A_203, %dma_start3A_204, %dma_start3A_205] : memref<6x64x128xf32, #tpu.memory_space<vmem>> -> memref<1x64x128xf32, #tpu.memory_space<vmem>>
    %dma_start3A_207 = tpu.memref_squeeze %dma_start3A_206 : memref<1x64x128xf32, #tpu.memory_space<vmem>> -> memref<64x128xf32, #tpu.memory_space<vmem>>
    %dma_start3A_208 = arith.constant 0 : i32
    %dma_start3A_209 = tpu.memref_slice %arg5[%dma_start3A_208, %multiple_of3A_202] : memref<64x1000001xf32, #tpu.memory_space<hbm>> -> memref<64x128xf32, #tpu.memory_space<hbm>>
    %dma_start3A_210 = arith.constant 0 : i32
    %dma_start3A_211 = arith.constant 0 : i32
    %dma_start3A_212 = tpu.memref_slice %arg10[%dma_start3A_203, %dma_start3A_210, %dma_start3A_211] : memref<6x64x128xf32, #tpu.memory_space<vmem>> -> memref<1x64x128xf32, #tpu.memory_space<vmem>>
    %dma_start3A_213 = tpu.memref_squeeze %dma_start3A_212 : memref<1x64x128xf32, #tpu.memory_space<vmem>> -> memref<64x128xf32, #tpu.memory_space<vmem>>
    %dma_start3A_214 = arith.constant 0 : i32
    %dma_start3A_215 = tpu.memref_slice %arg5[%dma_start3A_214, %multiple_of3A_202] : memref<64x1000001xf32, #tpu.memory_space<hbm>> -> memref<64x128xf32, #tpu.memory_space<hbm>>
    tpu.enqueue_dma source(%dma_start3A_215 : memref<64x128xf32, #tpu.memory_space<hbm>>) target(%dma_start3A_213 : memref<64x128xf32, #tpu.memory_space<vmem>>) target_semaphore(%arg13 : memref<!tpu.dma_semaphore, #tpu.memory_space<semaphore_mem>>)
    %broadcast_in_dim3A = arith.constant 0.000000e+00 : f32
    %broadcast_in_dim3A_216 = vector.broadcast %broadcast_in_dim3A : f32 to vector<16xf32>
    %scan3A = arith.constant 0 : i32
    %scan3A_217 = arith.constant 512 : i32
    %scan3A_218 = arith.addi %scan3A, %scan3A_217 : i32
    %scan3A_219 = arith.constant 1 : i32
    %scan3A_220 = scf.for %scan3A_222 = %scan3A to %scan3A_218 step %scan3A_219 iter_args(%scan3A_223 = %broadcast_in_dim3A_216) -> (vector<16xf32>)  : i32 {
      %rem3A = arith.constant 6 : i32
      %rem3A_224 = arith.remsi %scan3A_222, %rem3A : i32
      %dma_wait3A = arith.constant 0 : i32
      %dma_wait3A_225 = arith.constant 0 : i32
      %dma_wait3A_226 = tpu.memref_slice %arg9[%rem3A_224, %dma_wait3A, %dma_wait3A_225] : memref<6x64x128xf32, #tpu.memory_space<vmem>> -> memref<1x64x128xf32, #tpu.memory_space<vmem>>
      %dma_wait3A_227 = tpu.memref_squeeze %dma_wait3A_226 : memref<1x64x128xf32, #tpu.memory_space<vmem>> -> memref<64x128xf32, #tpu.memory_space<vmem>>
      %dma_wait3A_228 = arith.constant 0 : i32
      %dma_wait3A_229 = arith.constant 0 : i32
      %dma_wait3A_230 = tpu.memref_slice %arg4[%dma_wait3A_228, %dma_wait3A_229] : memref<64x1000000xf32, #tpu.memory_space<hbm>> -> memref<64x128xf32, #tpu.memory_space<hbm>>
      %dma_wait3A_231 = arith.constant 0 : i32
      %dma_wait3A_232 = arith.constant 0 : i32
      %dma_wait3A_233 = tpu.memref_slice %arg9[%rem3A_224, %dma_wait3A_231, %dma_wait3A_232] : memref<6x64x128xf32, #tpu.memory_space<vmem>> -> memref<1x64x128xf32, #tpu.memory_space<vmem>>
      %dma_wait3A_234 = tpu.memref_squeeze %dma_wait3A_233 : memref<1x64x128xf32, #tpu.memory_space<vmem>> -> memref<64x128xf32, #tpu.memory_space<vmem>>
      %dma_wait3A_235 = arith.constant 0 : i32
      %dma_wait3A_236 = arith.constant 0 : i32
      %dma_wait3A_237 = tpu.memref_slice %arg4[%dma_wait3A_235, %dma_wait3A_236] : memref<64x1000000xf32, #tpu.memory_space<hbm>> -> memref<64x128xf32, #tpu.memory_space<hbm>>
      tpu.wait_dma2 semaphore(%arg12 : memref<!tpu.dma_semaphore, #tpu.memory_space<semaphore_mem>>) src(%dma_wait3A_237 : memref<64x128xf32, #tpu.memory_space<hbm>>) dst(%dma_wait3A_234 : memref<64x128xf32, #tpu.memory_space<vmem>>)
      %dma_wait3A_238 = arith.constant 0 : i32
      %dma_wait3A_239 = arith.constant 0 : i32
      %dma_wait3A_240 = tpu.memref_slice %arg10[%rem3A_224, %dma_wait3A_238, %dma_wait3A_239] : memref<6x64x128xf32, #tpu.memory_space<vmem>> -> memref<1x64x128xf32, #tpu.memory_space<vmem>>
      %dma_wait3A_241 = tpu.memref_squeeze %dma_wait3A_240 : memref<1x64x128xf32, #tpu.memory_space<vmem>> -> memref<64x128xf32, #tpu.memory_space<vmem>>
      %dma_wait3A_242 = arith.constant 0 : i32
      %dma_wait3A_243 = arith.constant 0 : i32
      %dma_wait3A_244 = tpu.memref_slice %arg5[%dma_wait3A_242, %dma_wait3A_243] : memref<64x1000001xf32, #tpu.memory_space<hbm>> -> memref<64x128xf32, #tpu.memory_space<hbm>>
      %dma_wait3A_245 = arith.constant 0 : i32
      %dma_wait3A_246 = arith.constant 0 : i32
      %dma_wait3A_247 = tpu.memref_slice %arg10[%rem3A_224, %dma_wait3A_245, %dma_wait3A_246] : memref<6x64x128xf32, #tpu.memory_space<vmem>> -> memref<1x64x128xf32, #tpu.memory_space<vmem>>
      %dma_wait3A_248 = tpu.memref_squeeze %dma_wait3A_247 : memref<1x64x128xf32, #tpu.memory_space<vmem>> -> memref<64x128xf32, #tpu.memory_space<vmem>>
      %dma_wait3A_249 = arith.constant 0 : i32
      %dma_wait3A_250 = arith.constant 0 : i32
      %dma_wait3A_251 = tpu.memref_slice %arg5[%dma_wait3A_249, %dma_wait3A_250] : memref<64x1000001xf32, #tpu.memory_space<hbm>> -> memref<64x128xf32, #tpu.memory_space<hbm>>
      tpu.wait_dma2 semaphore(%arg13 : memref<!tpu.dma_semaphore, #tpu.memory_space<semaphore_mem>>) src(%dma_wait3A_251 : memref<64x128xf32, #tpu.memory_space<hbm>>) dst(%dma_wait3A_248 : memref<64x128xf32, #tpu.memory_space<vmem>>)
      %add3A_252 = arith.constant 6 : i32
      %add3A_253 = arith.addi %scan3A_222, %add3A_252 : i32
      %sub3A = arith.constant 1 : i32
      %sub3A_254 = arith.subi %add3A_253, %sub3A : i32
      %lt3A = arith.constant 512 : i32
      %lt3A_255 = arith.cmpi slt, %sub3A_254, %lt3A : i32
      %convert_element_type3A = arith.extui %lt3A_255 : i1 to i32
      %cond3A = arith.constant 0 : i32
      %cond3A_256 = arith.cmpi ne, %convert_element_type3A, %cond3A : i32
      scf.if %cond3A_256 {
        %get3A_317 = arith.index_cast %sub3A_254 : i32 to index
        %get3A_318 = tpu.vector_load %arg7[%get3A_317] {strides = array<i32>} : memref<528xi32, #tpu.memory_space<vmem>>, vector<16xi32>,
        %slice3A_319 = vector.extract_strided_slice %get3A_318 {offsets = [0], sizes = [1], strides = [1]} : vector<16xi32> to vector<1xi32>
        %squeeze3A_320 = vector.extract %slice3A_319[0] : i32 from vector<1xi32>
        %get3A_321 = arith.index_cast %sub3A_254 : i32 to index
        %get3A_322 = tpu.vector_load %arg8[%get3A_321] {strides = array<i32>} : memref<528xi32, #tpu.memory_space<vmem>>, vector<16xi32>,
        %slice3A_323 = vector.extract_strided_slice %get3A_322 {offsets = [0], sizes = [1], strides = [1]} : vector<16xi32> to vector<1xi32>
        %squeeze3A_324 = vector.extract %slice3A_323[0] : i32 from vector<1xi32>
        %rem3A_325 = arith.constant 6 : i32
        %rem3A_326 = arith.remsi %sub3A_254, %rem3A_325 : i32
        %shift_right_arithmetic3A_327 = arith.constant 7 : i32
        %shift_right_arithmetic3A_328 = arith.shrsi %squeeze3A_320, %shift_right_arithmetic3A_327 : i32
        %shift_left3A_329 = arith.constant 7 : i32
        %shift_left3A_330 = arith.shli %shift_right_arithmetic3A_328, %shift_left3A_329 : i32
        %multiple_of3A_331 = tpu.assume_multiple %shift_left3A_330, 128 : i32
        %dma_start3A_332 = arith.constant 0 : i32
        %dma_start3A_333 = arith.constant 0 : i32
        %dma_start3A_334 = tpu.memref_slice %arg9[%rem3A_326, %dma_start3A_332, %dma_start3A_333] : memref<6x64x128xf32, #tpu.memory_space<vmem>> -> memref<1x64x128xf32, #tpu.memory_space<vmem>>
        %dma_start3A_335 = tpu.memref_squeeze %dma_start3A_334 : memref<1x64x128xf32, #tpu.memory_space<vmem>> -> memref<64x128xf32, #tpu.memory_space<vmem>>
        %dma_start3A_336 = arith.constant 0 : i32
        %dma_start3A_337 = tpu.memref_slice %arg4[%dma_start3A_336, %multiple_of3A_331] : memref<64x1000000xf32, #tpu.memory_space<hbm>> -> memref<64x128xf32, #tpu.memory_space<hbm>>
        %dma_start3A_338 = arith.constant 0 : i32
        %dma_start3A_339 = arith.constant 0 : i32
        %dma_start3A_340 = tpu.memref_slice %arg9[%rem3A_326, %dma_start3A_338, %dma_start3A_339] : memref<6x64x128xf32, #tpu.memory_space<vmem>> -> memref<1x64x128xf32, #tpu.memory_space<vmem>>
        %dma_start3A_341 = tpu.memref_squeeze %dma_start3A_340 : memref<1x64x128xf32, #tpu.memory_space<vmem>> -> memref<64x128xf32, #tpu.memory_space<vmem>>
        %dma_start3A_342 = arith.constant 0 : i32
        %dma_start3A_343 = tpu.memref_slice %arg4[%dma_start3A_342, %multiple_of3A_331] : memref<64x1000000xf32, #tpu.memory_space<hbm>> -> memref<64x128xf32, #tpu.memory_space<hbm>>
        tpu.enqueue_dma source(%dma_start3A_343 : memref<64x128xf32, #tpu.memory_space<hbm>>) target(%dma_start3A_341 : memref<64x128xf32, #tpu.memory_space<vmem>>) target_semaphore(%arg12 : memref<!tpu.dma_semaphore, #tpu.memory_space<semaphore_mem>>)
        %shift_right_arithmetic3A_344 = arith.constant 7 : i32
        %shift_right_arithmetic3A_345 = arith.shrsi %squeeze3A_324, %shift_right_arithmetic3A_344 : i32
        %shift_left3A_346 = arith.constant 7 : i32
        %shift_left3A_347 = arith.shli %shift_right_arithmetic3A_345, %shift_left3A_346 : i32
        %multiple_of3A_348 = tpu.assume_multiple %shift_left3A_347, 128 : i32
        %dma_start3A_349 = arith.constant 0 : i32
        %dma_start3A_350 = arith.constant 0 : i32
        %dma_start3A_351 = tpu.memref_slice %arg10[%rem3A_326, %dma_start3A_349, %dma_start3A_350] : memref<6x64x128xf32, #tpu.memory_space<vmem>> -> memref<1x64x128xf32, #tpu.memory_space<vmem>>
        %dma_start3A_352 = tpu.memref_squeeze %dma_start3A_351 : memref<1x64x128xf32, #tpu.memory_space<vmem>> -> memref<64x128xf32, #tpu.memory_space<vmem>>
        %dma_start3A_353 = arith.constant 0 : i32
        %dma_start3A_354 = tpu.memref_slice %arg5[%dma_start3A_353, %multiple_of3A_348] : memref<64x1000001xf32, #tpu.memory_space<hbm>> -> memref<64x128xf32, #tpu.memory_space<hbm>>
        %dma_start3A_355 = arith.constant 0 : i32
        %dma_start3A_356 = arith.constant 0 : i32
        %dma_start3A_357 = tpu.memref_slice %arg10[%rem3A_326, %dma_start3A_355, %dma_start3A_356] : memref<6x64x128xf32, #tpu.memory_space<vmem>> -> memref<1x64x128xf32, #tpu.memory_space<vmem>>
        %dma_start3A_358 = tpu.memref_squeeze %dma_start3A_357 : memref<1x64x128xf32, #tpu.memory_space<vmem>> -> memref<64x128xf32, #tpu.memory_space<vmem>>
        %dma_start3A_359 = arith.constant 0 : i32
        %dma_start3A_360 = tpu.memref_slice %arg5[%dma_start3A_359, %multiple_of3A_348] : memref<64x1000001xf32, #tpu.memory_space<hbm>> -> memref<64x128xf32, #tpu.memory_space<hbm>>
        tpu.enqueue_dma source(%dma_start3A_360 : memref<64x128xf32, #tpu.memory_space<hbm>>) target(%dma_start3A_358 : memref<64x128xf32, #tpu.memory_space<vmem>>) target_semaphore(%arg13 : memref<!tpu.dma_semaphore, #tpu.memory_space<semaphore_mem>>)
      } else {
      }
      %get3A_257 = arith.index_cast %scan3A_222 : i32 to index
      %get3A_258 = tpu.vector_load %arg7[%get3A_257] {strides = array<i32>} : memref<528xi32, #tpu.memory_space<vmem>>, vector<16xi32>,
      %slice3A_259 = vector.extract_strided_slice %get3A_258 {offsets = [0], sizes = [1], strides = [1]} : vector<16xi32> to vector<1xi32>
      %squeeze3A_260 = vector.extract %slice3A_259[0] : i32 from vector<1xi32>
      %get3A_261 = arith.index_cast %scan3A_222 : i32 to index
      %get3A_262 = tpu.vector_load %arg8[%get3A_261] {strides = array<i32>} : memref<528xi32, #tpu.memory_space<vmem>>, vector<16xi32>,
      %slice3A_263 = vector.extract_strided_slice %get3A_262 {offsets = [0], sizes = [1], strides = [1]} : vector<16xi32> to vector<1xi32>
      %squeeze3A_264 = vector.extract %slice3A_263[0] : i32 from vector<1xi32>
      %and3A = arith.constant 127 : i32
      %and3A_265 = arith.andi %squeeze3A_260, %and3A : i32
      %broadcast_in_dim3A_266 = vector.broadcast %and3A_265 : i32 to vector<16xi32>
      %and3A_267 = arith.constant 127 : i32
      %and3A_268 = arith.andi %squeeze3A_264, %and3A_267 : i32
      %broadcast_in_dim3A_269 = vector.broadcast %and3A_268 : i32 to vector<16xi32>
      %broadcast_in_dim3A_270 = vector.broadcast %rem3A_224 : i32 to vector<16xi32>
      %broadcast_in_dim3A_271 = arith.constant 0.000000e+00 : f32
      %broadcast_in_dim3A_272 = vector.broadcast %broadcast_in_dim3A_271 : f32 to vector<16xf32>
      %add3A_273 = arith.constant 0 : i32
      %add3A_274 = vector.broadcast %add3A_273 : i32 to vector<16xi32>
      %add3A_275 = arith.addi %add3A_274, %iota3A : vector<16xi32>
      %gather3A = tpu.vector_load_idx %arg9[%broadcast_in_dim3A_270, %add3A_275, %broadcast_in_dim3A_266] : memref<6x64x128xf32, #tpu.memory_space<vmem>>[vector<16xi32>, vector<16xi32>, vector<16xi32>], vector<16xf32>,
      %gather3A_276 = tpu.vector_load_idx %arg10[%broadcast_in_dim3A_270, %add3A_275, %broadcast_in_dim3A_269] : memref<6x64x128xf32, #tpu.memory_space<vmem>>[vector<16xi32>, vector<16xi32>, vector<16xi32>], vector<16xf32>,
      %mul3A_277 = arith.mulf %gather3A, %gather3A_276 : vector<16xf32>
      %add3A_278 = arith.addf %broadcast_in_dim3A_272, %mul3A_277 : vector<16xf32>
      %add3A_279 = arith.constant 16 : i32
      %add3A_280 = vector.broadcast %add3A_279 : i32 to vector<16xi32>
      %add3A_281 = arith.addi %add3A_280, %iota3A : vector<16xi32>
      %gather3A_282 = tpu.vector_load_idx %arg9[%broadcast_in_dim3A_270, %add3A_281, %broadcast_in_dim3A_266] : memref<6x64x128xf32, #tpu.memory_space<vmem>>[vector<16xi32>, vector<16xi32>, vector<16xi32>], vector<16xf32>,
      %gather3A_283 = tpu.vector_load_idx %arg10[%broadcast_in_dim3A_270, %add3A_281, %broadcast_in_dim3A_269] : memref<6x64x128xf32, #tpu.memory_space<vmem>>[vector<16xi32>, vector<16xi32>, vector<16xi32>], vector<16xf32>,
      %mul3A_284 = arith.mulf %gather3A_282, %gather3A_283 : vector<16xf32>
      %add3A_285 = arith.addf %add3A_278, %mul3A_284 : vector<16xf32>
      %add3A_286 = arith.constant 32 : i32
      %add3A_287 = vector.broadcast %add3A_286 : i32 to vector<16xi32>
      %add3A_288 = arith.addi %add3A_287, %iota3A : vector<16xi32>
      %gather3A_289 = tpu.vector_load_idx %arg9[%broadcast_in_dim3A_270, %add3A_288, %broadcast_in_dim3A_266] : memref<6x64x128xf32, #tpu.memory_space<vmem>>[vector<16xi32>, vector<16xi32>, vector<16xi32>], vector<16xf32>,
      %gather3A_290 = tpu.vector_load_idx %arg10[%broadcast_in_dim3A_270, %add3A_288, %broadcast_in_dim3A_269] : memref<6x64x128xf32, #tpu.memory_space<vmem>>[vector<16xi32>, vector<16xi32>, vector<16xi32>], vector<16xf32>,
      %mul3A_291 = arith.mulf %gather3A_289, %gather3A_290 : vector<16xf32>
      %add3A_292 = arith.addf %add3A_285, %mul3A_291 : vector<16xf32>
      %add3A_293 = arith.constant 48 : i32
      %add3A_294 = vector.broadcast %add3A_293 : i32 to vector<16xi32>
      %add3A_295 = arith.addi %add3A_294, %iota3A : vector<16xi32>
      %gather3A_296 = tpu.vector_load_idx %arg9[%broadcast_in_dim3A_270, %add3A_295, %broadcast_in_dim3A_266] : memref<6x64x128xf32, #tpu.memory_space<vmem>>[vector<16xi32>, vector<16xi32>, vector<16xi32>], vector<16xf32>,
      %gather3A_297 = tpu.vector_load_idx %arg10[%broadcast_in_dim3A_270, %add3A_295, %broadcast_in_dim3A_269] : memref<6x64x128xf32, #tpu.memory_space<vmem>>[vector<16xi32>, vector<16xi32>, vector<16xi32>], vector<16xf32>,
      %mul3A_298 = arith.mulf %gather3A_296, %gather3A_297 : vector<16xf32>
      %add3A_299 = arith.addf %add3A_292, %mul3A_298 : vector<16xf32>
      %and3A_300 = arith.constant 15 : i32
      %and3A_301 = arith.andi %scan3A_222, %and3A_300 : i32
      %eq3A = arith.constant 0 : i32
      %eq3A_302 = arith.cmpi eq, %and3A_301, %eq3A : i32
      %broadcast_in_dim3A_303 = arith.constant 0.000000e+00 : f32
      %broadcast_in_dim3A_304 = vector.broadcast %broadcast_in_dim3A_303 : f32 to vector<16xf32>
      %select_n3A = arith.select %eq3A_302, %broadcast_in_dim3A_304, %scan3A_223 : vector<16xf32>
      %eq3A_305 = vector.broadcast %and3A_301 : i32 to vector<16xi32>
      %eq3A_306 = arith.cmpi eq, %iota3A, %eq3A_305 : vector<16xi32>
      %reduce_sum3A = arith.constant true
      %reduce_sum3A_307 = vector.broadcast %reduce_sum3A : i1 to vector<16xi1>
      %reduce_sum3A_308 = tpu.scan <sum>, %add3A_299 masked %reduce_sum3A_307 : vector<16xf32>, vector<16xi1> -> vector<16xf32>
      %reduce_sum3A_309 = vector.extract %reduce_sum3A_308[15] : f32 from vector<16xf32>
      %broadcast_in_dim3A_310 = vector.broadcast %reduce_sum3A_309 : f32 to vector<16xf32>
      %select_n3A_311 = arith.select %eq3A_306, %broadcast_in_dim3A_310, %select_n3A : vector<16xi1>, vector<16xf32>
      %eq3A_312 = arith.constant 15 : i32
      %eq3A_313 = arith.cmpi eq, %and3A_301, %eq3A_312 : i32
      %convert_element_type3A_314 = arith.extui %eq3A_313 : i1 to i32
      %cond3A_315 = arith.constant 0 : i32
      %cond3A_316 = arith.cmpi ne, %convert_element_type3A_314, %cond3A_315 : i32
      scf.if %cond3A_316 {
        %sub3A_317 = arith.constant 15 : i32
        %sub3A_318 = arith.subi %scan3A_222, %sub3A_317 : i32
        %swap3A = arith.index_cast %sub3A_318 : i32 to index
        %swap3A_319 = tpu.vector_load %arg11[%swap3A] {strides = array<i32>} : memref<512xf32, #tpu.memory_space<vmem>>, vector<16xf32>,
        tpu.vector_store %arg11[%swap3A], %select_n3A_311 {strides = array<i32>} : memref<512xf32, #tpu.memory_space<vmem>>, vector<16xf32>,
      } else {
      }
      scf.yield %select_n3A_311 : vector<16xf32>
    }
    %scan3A_221 = arith.constant 512 : i32
    "tpu.region"() ({
      %run_scoped3A = tpu.sem_alloc : memref<!tpu.dma_semaphore, #tpu.memory_space<semaphore_mem>>
      %dma_start3A_222 = tpu.memref_slice %arg6[%mul3A_2] : memref<16384xf32, #tpu.memory_space<hbm>> -> memref<512xf32, #tpu.memory_space<hbm>>
      %dma_start3A_223 = tpu.memref_slice %arg6[%mul3A_2] : memref<16384xf32, #tpu.memory_space<hbm>> -> memref<512xf32, #tpu.memory_space<hbm>>
      tpu.enqueue_dma source(%arg11 : memref<512xf32, #tpu.memory_space<vmem>>) target(%dma_start3A_223 : memref<512xf32, #tpu.memory_space<hbm>>) target_semaphore(%run_scoped3A : memref<!tpu.dma_semaphore, #tpu.memory_space<semaphore_mem>>)
      %dma_wait3A = tpu.memref_slice %arg6[%mul3A_2] : memref<16384xf32, #tpu.memory_space<hbm>> -> memref<512xf32, #tpu.memory_space<hbm>>
      %dma_wait3A_224 = tpu.memref_slice %arg6[%mul3A_2] : memref<16384xf32, #tpu.memory_space<hbm>> -> memref<512xf32, #tpu.memory_space<hbm>>
      tpu.wait_dma2 semaphore(%run_scoped3A : memref<!tpu.dma_semaphore, #tpu.memory_space<semaphore_mem>>) src(%arg11 : memref<512xf32, #tpu.memory_space<vmem>>) dst(%dma_wait3A_224 : memref<512xf32, #tpu.memory_space<hbm>>)
      tpu.yield
    }) : () -> ()
    return
  }
}

</mosaic_0001>

<sc_bundles>
// kernel: _bprmf_score.3.cloned.1.call-start
scs
__scs_entry_jumppad:
0x0: {  	(pc) =	sbr.rel $0x88, $3  }
0x1: {  	(tag) =	ssettag $0x0;
	lr =	simm.s32 $0x1  }
0x2: {  	[smem:$0x3F9D] =	sst lr;
	_ =	strace $0xD0000000  }
0x3: {  	_ = 	snop  }
0x4: {  	_ = 	snop  }
0x5: {  	_ = 	snop  }
0x6: {  	_ = 	snop  }
0x7: {  	_ = 	snop  }
__scs_overlays_trampoline_lowered:
0x8: {  	[smem:$0x3FAC] =	sst s0  }
0x9: {  	[smem:$0x3FAD] =	sst s1  }
0xa: {  	[smem:$0x3FAE] =	sst s2  }
0xb: {  	[smem:$0x3FAF] =	sst s3  }
0xc: {  	[smem:$0x3FB0] =	sst s4  }
0xd: {  	[smem:$0x3FB1] =	sst s5  }
0xe: {  	[smem:$0x3FB2] =	sst s6  }
0xf: {  	[smem:$0x3FB3] =	sst s7  }
0x10: {  	[smem:$0x3FB4] =	sst s8  }
0x11: {  	[smem:$0x3FB5] =	sst s9;
	s0 =	simm.s32 @!p0 $0x0  }
0x12: {  	s1 =	sld [smem:$0x3F9B];
	s0 =	simm.s32 @p0 $0x1  }
0x13: {  	[smem:$0x3FB6] =	sst s0;
	s0 =	simm.s32 @!p1 $0x0  }
0x14: {  	s2 =	sld [smem:$0x3F9A];
	s0 =	simm.s32 @p1 $0x1  }
0x15: {  	[smem:$0x3FB7] =	sst s0;
	s0 =	simm.s32 @!p2 $0x0  }
0x16: {  	s3 =	sld [smem:$0x3FDB];
	s0 =	simm.s32 @p2 $0x1  }
0x17: {  	s4 =	simm.s32 $0x1BF5;
	[smem:$0x3FB9] =	sst s0  }
0x18: {  	s0 =	sld [smem:$0x3F9C];
	_ =	swait.ge [sflag:s4], $0x0  }
0x19: {  	s7 =	sld [smem:$0x3F9D]  }
0x1a: {  	s8 =	sadd.s32 $0xFFFFE003, lr  }
0x1b: {  	s9 =	sadd.s32 $0xFFFFFEF7, lr;
	s5 =	simm.s32 $0xFFFFFFFF;
	p2 =	slt.u32 s8, $0xFFFFF086  }
0x1c: {  	p1 =	slt.u32 s9, $0xF7A;
	s5 =	simm.s32 @!p2 $0x0  }
0x1d: {  	s5 =	simm.s32 @p1 $0x1;
	p0 =	seq.s32 s7, s2  }
0x1e: {  	s7 =	smul.u32 @!p0 $0xF7A, s2;
	p2 =	seq.s32 @!p0 s5, $0x0  }
0x1f: {  	s9 =	smul.u32 $0xF7A, s1;
	s8 =	simm.s32 @!p0 $0x1BF5;
	p2 =	por !p2, p0  }
0x20: {  	[sflag:s8] =	ssyncset.s32 @!p0 $0xFFFFF086;
	s6 =	sadd.s32 @!p0 s3, s7;
	s7 =	simm.s32 @!p0 $0x108  }
0x21: {  	s3 =	sadd.s32 s3, s9;
	s6 =	sadd.s32 @!p0 $0x88, s6;
	s7 =	simm.s32 @p2 $0x1082  }
0x22: {  	[simem:s7], [sflag:s8] =	dma.local @!p0 [hbm:s6], $0xF7A  }
0x23: {  	s9 =	sor.u32 $0xD0000000, s2;
	s6 =	simm.s32 $0x108;
	_ =	swait.ge @!p0 [sflag:s8], $0x0  }
0x24: {  	s3 =	sadd.s32 $0x88, s3;
	s6 =	simm.s32 @!p1 $0x1082;
	[sflag:s4] =	ssyncset.s32 $0xFFFFF086  }
0x25: {  	[simem:s6], [sflag:s4] =	dma.local [hbm:s3], $0xF7A  }
0x26: {  	[smem:$0x3F9D] =	sst s1;
	(tag) =	ssettag s2;
	_ =	strace s9  }
0x27: {  	s1 =	sld [smem:$0x3FAD]  }
0x28: {  	s2 =	sld [smem:$0x3FAE]  }
0x29: {  	s4 =	sld [smem:$0x3FB0]  }
0x2a: {  	p0 =	seq.s32 s5, $0x0;
	s5 =	sld [smem:$0x3FB1]  }
0x2b: {  	s6 =	sld [smem:$0x3FB2]  }
0x2c: {  	s7 =	sld [smem:$0x3FB3]  }
0x2d: {  	s3 =	simm.s32 $0x108;
	s8 =	sld [smem:$0x3FB4]  }
0x2e: {  	s3 =	simm.s32 @!p0 $0x1082;
	s9 =	sld [smem:$0x3FB5]  }
0x2f: {  	lr =	sadd.s32 s0, s3;
	s0 =	sld [smem:$0x3FAC]  }
0x30: {  	s3 =	sld [smem:$0x3FAF]  }
0x31: {  	[smem:$0x3FB8] =	sst s10  }
0x32: {  	s10 =	sld [smem:$0x3FB6];
	_ =	sdelay $0x3  }
0x33: {  	p0 =	seq.s32 s10, $0x1;
	s10 =	sld [smem:$0x3FB8];
	_ =	sdelay $0x3  }
0x34: {  	[smem:$0x3FB8] =	sst s10  }
0x35: {  	s10 =	sld [smem:$0x3FB7];
	_ =	sdelay $0x3  }
0x36: {  	p1 =	seq.s32 s10, $0x1;
	s10 =	sld [smem:$0x3FB8];
	_ =	sdelay $0x3  }
0x37: {  	[smem:$0x3FB8] =	sst s10  }
0x38: {  	s10 =	sld [smem:$0x3FB9]  }
0x39: {  	_ = 	snop;
	(pc) =	sbr.ind lr, $3  }
0x3a: {  	_ = 	snop  }
0x3b: {  	_ = 	snop  }
0x3c: {  	p2 =	seq.s32 s10, $0x1;
	s10 =	sld [smem:$0x3FB8]  }
0x3d: {  	_ =	shalt  }
0x3e: {  	_ =	shalt  }
0x3f: {  	_ =	shalt  }
0x40: {  	_ =	shalt  }
0x41: {  	_ =	shalt  }
0x42: {  	_ =	shalt  }
0x43: {  	_ =	shalt  }
0x44: {  	_ =	shalt  }
0x45: {  	_ =	shalt  }
0x46: {  	_ =	shalt  }
0x47: {  	_ =	shalt  }
0x48: {  	_ =	shalt  }
0x49: {  	_ =	shalt  }
0x4a: {  	_ =	shalt  }
0x4b: {  	_ =	shalt  }
0x4c: {  	_ =	shalt  }
0x4d: {  	_ =	shalt  }
0x4e: {  	_ =	shalt  }
0x4f: {  	_ =	shalt  }
0x50: {  	_ =	shalt  }
0x51: {  	_ =	shalt  }
0x52: {  	_ =	shalt  }
0x53: {  	_ =	shalt  }
0x54: {  	_ =	shalt  }
0x55: {  	_ =	shalt  }
0x56: {  	_ =	shalt  }
0x57: {  	_ =	shalt  }
0x58: {  	_ =	shalt  }
0x59: {  	_ =	shalt  }
0x5a: {  	_ =	shalt  }
0x5b: {  	_ =	shalt  }
0x5c: {  	_ =	shalt  }
0x5d: {  	_ =	shalt  }
0x5e: {  	_ =	shalt  }
0x5f: {  	_ =	shalt  }
0x60: {  	_ =	shalt  }
0x61: {  	_ =	shalt  }
0x62: {  	_ =	shalt  }
0x63: {  	_ =	shalt  }
0x64: {  	_ =	shalt  }
0x65: {  	_ =	shalt  }
0x66: {  	_ =	shalt  }
0x67: {  	_ =	shalt  }
0x68: {  	_ =	shalt  }
0x69: {  	_ =	shalt  }
0x6a: {  	_ =	shalt  }
0x6b: {  	_ =	shalt  }
0x6c: {  	_ =	shalt  }
0x6d: {  	_ =	shalt  }
0x6e: {  	_ =	shalt  }
0x6f: {  	_ =	shalt  }
0x70: {  	_ =	shalt  }
0x71: {  	_ =	shalt  }
0x72: {  	_ =	shalt  }
0x73: {  	_ =	shalt  }
0x74: {  	_ =	shalt  }
0x75: {  	_ =	shalt  }
0x76: {  	_ =	shalt  }
0x77: {  	_ =	shalt  }
0x78: {  	_ =	shalt  }
0x79: {  	_ =	shalt  }
0x7a: {  	_ =	shalt  }
0x7b: {  	_ =	shalt  }
0x7c: {  	_ =	shalt  }
0x7d: {  	_ =	shalt  }
0x7e: {  	_ =	shalt  }
0x7f: {  	_ =	shalt  }
0x80: {  	_ =	shalt  }
0x81: {  	_ =	shalt  }
0x82: {  	_ =	shalt  }
0x83: {  	_ =	shalt  }
0x84: {  	_ =	shalt  }
0x85: {  	_ =	shalt  }
0x86: {  	_ =	shalt  }
0x87: {  	_ =	shalt  }
.Lfunc_end0:
.L_simem_size_0:
called_computation_lowered:
.L_overlay_start_0:
0x88: {  	s2 =	sld [smem:$0x3FD9]  }
0x89: {  	s3 =	sld [smem:$0x3FFE];
	_ =	sdelay $0x1  }
0x8a: {  	s1 =	srdreg.scid  }
0x8b: {  	s0 =	sand.u32 $0x1, s1  }
0x8c: {  	s18 =	sshll.u32 s0, $0xA;
	s2 =	sadd.s32 s3, s2  }
0x8d: {  	s2 =	sadd.s32 s2, s18  }
0x8e: {  	[smem:$0x3FC4] =	sst s2  }
0x8f: {  	_ = 	snop  }
0x90: {  	s2 =	sld [smem:$0x3FC9]  }
0x91: {  	s19 =	sld [smem:$0x3FC8]  }
0x92: {  	s4 =	sld [smem:$0x3FC7]  }
0x93: {  	s5 =	sld [smem:$0x3FC6]  }
0x94: {  	s6 =	sld [smem:$0x3FD0];
	(tm) =	ssettm $0x1  }
0x95: {  	s7 =	sld [smem:$0x3FFB];
	_ =	sdelay $0x3  }
0x96: {  	_ =	strace s7  }
0x97: {  	s7 =	sld [smem:$0x3FFC];
	_ =	sdelay $0x3  }
0x98: {  	_ =	strace s7  }
0x99: {  	s7 =	sld [smem:$0x3FFD];
	_ =	sdelay $0x3  }
0x9a: {  	_ =	strace s7  }
0x9b: {  	_ =	strace $0x8FFFFFFF  }
0x9c: {  	s20 =	sld [smem:$0x3FDB];
	_ =	sdelay $0x1  }
0x9d: {  	s8 =	simm.s32 $_scs_section_size  }
0x9e: {  	s9 =	simm.s32 $_size__tile_overlayer_lowered;
	s10 =	simm.s32 $_tile_overlayer_lowered  }
0x9f: {  	s23 =	simm.s32 $0x1BFF;
	s22 =	sshll.u32 s10, $0x1;
	s7 =	sadd.s32 s8, s20  }
0xa0: {  	s11 =	simm.s32 $0x0;
	s21 =	sshll.u32 s9, $0x1;
	s9 =	sadd.s32 s22, s7  }
0xa1: {  	[timem:s11], [sflag:s23] =	dma.local [hbm:s9], s21  }
0xa2: {  	_ =	swait.ge [sflag:s23], s21  }
0xa3: {  	s8 =	ssub.s32 $0x0, s21;
	[sflag:s23] =	ssyncset.done $0x0  }
0xa4: {  	[sflag:s23] =	ssyncadd.s32 s8;
	_ =	sdelay $0x1  }
0xa5: {  	s24 =	simm.s32 $0x1B8B  }
0xa6: {  	_ =	swait.ge [sflag:s24], $0x1  }
0xa7: {  	[sflag:s24] =	ssyncset.done $0x0  }
0xa8: {  	s25 =	simm.s32 $0x1B8E;
	[sflag:s24] =	ssyncadd.s32 $0xFFFFFFFF  }
0xa9: {  	s26 =	simm.s32 $execute0_lowered;
	[smem:$0x3FD2] =	sst s25  }
0xaa: {  	s8 =	sshll.u32 s26, $0x1;
	_ =	strace $0x80000046;
	[dreg:$0x1] =	wrdreg $0xFFFFFFFF  }
0xab: {  	s28 =	simm.s32 $_size_execute0_lowered;
	s7 =	sadd.s32 s7, s8;
	[dreg:$0x0] =	wrdreg $0x0  }
0xac: {  	s8 =	sshll.u32 s28, $0x1;
	[dreg:$0x2] =	wrdreg s7  }
0xad: {  	[dreg:$0x3] =	wrdreg s8  }
0xae: {  	[dreg:$0x4] =	wrdreg $0xC0  }
0xaf: {  	_ =	task [dreg:s11], $0x5FFFF  }
0xb0: {  	[dreg:$0x1] =	wrdreg $0xFFFFFFFF  }
0xb1: {  	[dreg:$0x0] =	wrdreg $0x60  }
0xb2: {  	[dreg:$0x2] =	wrdreg s2  }
0xb3: {  	[dreg:$0x3] =	wrdreg s19  }
0xb4: {  	[dreg:$0x4] =	wrdreg s4  }
0xb5: {  	[dreg:$0x5] =	wrdreg s5  }
0xb6: {  	[dreg:$0x6] =	wrdreg s6  }
0xb7: {  	[dreg:$0x7] =	wrdreg $0x9  }
0xb8: {  	_ =	task.clear_ibuf [dreg:s11], $0x8FFFF;
	_ =	strace $0x90000046  }
0xb9: {  	s29 =	simm.s32 $0x9;
	_ =	strace $0x80000048  }
0xba: {  	_ =	swait.ge [sflag:s29], $0x1  }
0xbb: {  	[sflag:s29] =	ssyncadd.s32 $0xFFFFFFFF  }
0xbc: {  	_ =	strace $0x90000048  }
0xbd: {  	_ =	sfence  }
0xbe: {  	s30 =	sld [smem:$0x0];
	_ =	sdelay $0x2  }
0xbf: {  	s31 =	sshll.u32 s1, $0xD;
	s1 =	sshrl.u32 s1, $0x2  }
0xc0: {  	s3 =	sand.u32 $0x4000, s31;
	s1 =	sadd.s32 s1, s30  }
0xc1: {  	s0 =	sor.u32 s3, s0;
	s1 =	sshll.u32 s1, $0x11  }
0xc2: {  	s0 =	sor.u32 s1, s0  }
0xc3: {  	s0 =	sadd.s32 $0x8F2B, s0  }
0xc4: {  	[sflag:s0] =	ssyncadd.remote.s32 $0x1  }
0xc5: {  	_ =	sfence.sel $0xFFFF  }
0xc6: {  	[dreg:$0x0] =	wrdreg $0xFFFFFFFF;
	(pc) =	sbr.abs _section_cstart, $3  }
0xc7: {  	[dreg:$0x1] =	wrdreg $0xFFFFFFFF  }
0xc8: {  	_ =	task.clear_ibuf [dreg:s11], $0x2FFFF;
	_ =	strace $0x9FFFFFFF  }
0xc9: {  	(tm) =	ssettm $0x7FFFFFFF  }
tec
execute0_lowered:
.L_overlay_start_1:
0x0: {  	(tag) =	ssettag $0x1  }
0x1: {  	s0 =	rddreg [dreg:$0x0]  }
0x2: {  	s6 =	rddreg [dreg:$0x1]  }
0x3: {  	s1 =	rddreg [dreg:$0x2]  }
0x4: {  	s2 =	rddreg [dreg:$0x3]  }
0x5: {  	s7 =	rddreg [dreg:$0x4];
	s3 =	srdreg.scid  }
0x6: {  	s4 =	simm.s32 $0x0;
	s30 =	stileid.u32;
	s11 =	simm.s32 $0x7A1400  }
0x7: {  	s12 =	simm.s32 $0x500;
	s13 =	simm.s32 $0xC500;
	s19 =	simm.s32 $0x12500  }
0x8: {  	s20 =	simm.s32 $0x8500;
	s21 =	simm.s32 $0x14500;
	s22 =	simm.s32 $0x1  }
0x9: {  	s23 =	simm.s32 $0x2;
	s24 =	simm.s32 $0x18500;
	s25 =	simm.s32 $0x0  }
0xa: {  	s5 =	sand.u32 $0x1, s3;
	[smem:$0x7FF] =	sst s4;
	s10 =	sshll.u32 s30, $0x7  }
0xb: {  	v0 =	vlaneseq.u32;
	s8 =	ssub.s32 $0x2, s5;
	s5 =	sshll.u32 s5, $0x6;
	_ =	strace $0x80000047  }
0xc: {  	v1 =	vmul.u32 $0x80, v0;
	s9 =	sshrl.u32 s8, $0x1;
	s31 =	sor.u32 s5, s10;
	s10 =	simm.s32 $0x400  }
0xd: {  	s8 =	ssub.s32 s8, s9;
	s5 =	sadd.s32 s0, s31;
	s6 =	sadd.s32 s6, s31  }
0xe: {  	v2 =	vor.u32 $0x800, v1;
	v3 =	vor.u32 $0x1000, v1;
	v4 =	vor.u32 $0x1800, v1;
	s7 =	sadd.s32 s7, s31;
	s9 =	simm.s32 $0x3;
	s8 =	smax.u32 s8, $0x1  }
.LBB2_1:
0xf: {  	[tilespmem:s4], [sflag:$0x3] =	stream.linear.gather [hbm4b:s5+s4], $0x200, $0x38;
	[tilespmem:$0x18700] =	vst v63  }
0x10: {  	_ =	swait.ge [sflag:s9], $0x200  }
0x11: {  	[sflag:s9] =	ssyncset.done $0x0  }
0x12: {  	s26 =	simm.s32 $0x280;
	[sflag:s9] =	ssyncadd.s32 $0xFFFFFE00  }
0x13: {  	[tilespmem:s26], [sflag:$0x3] =	stream.linear.gather [hbm4b:s6+s4], $0x200, $0x38;
	[tilespmem:$0x18700] =	vst v63  }
0x14: {  	_ =	swait.ge [sflag:s9], $0x200  }
0x15: {  	[sflag:s9] =	ssyncset.done $0x0  }
0x16: {  	[sflag:s9] =	ssyncadd.s32 $0xFFFFFE00  }
0x17: {  	v5 =	vld [tilespmem:$0x0];
	_ =	sdelay $0x1  }
0x18: {  	v6 =	vld [tilespmem:$0x280];
	_ =	sdelay $0x2  }
0x19: {  	(v2sf) =	vpush v5, $0x0;
	_ =	sdelay $0x1  }
0x1a: {  	(v2sf) =	vpush v6, $0x0;
	_ =	sdelay $0xc  }
0x1b: {  	s0 =	spop (v2sf)  }
0x1c: {  	s0 =	sand.u32 $0xFFFFF80, s0  }
0x1d: {  	s17 =	spop (v2sf);
	s0 =	sadd.s32 s1, s0  }
0x1e: {  	[tilespmem:s12], [sflag:$0x1] =	stream.strided.gather [hbm4b:s0+s10], $0x2000, s11, s10, $0x38;
	[tilespmem:$0x18700] =	vst v63  }
0x1f: {  	s0 =	sand.u32 $0xFFFFF80, s17  }
0x20: {  	s0 =	sadd.s32 s2, s0  }
0x21: {  	[tilespmem:s13], [sflag:$0x2] =	stream.strided.gather [hbm4b:s0+s10], $0x2000, s11, s10, $0x38;
	[tilespmem:$0x18700] =	vst v63  }
0x22: {  	v5 =	vld [tilespmem:$0x1];
	_ =	sdelay $0x3  }
0x23: {  	v6 =	vld [tilespmem:$0x281]  }
0x24: {  	(v2sf) =	vpush v5, $0x0;
	_ =	sdelay $0x3  }
0x25: {  	(v2sf) =	vpush v6, $0x0;
	_ =	sdelay $0xa  }
0x26: {  	s18 =	spop (v2sf)  }
0x27: {  	s0 =	sand.u32 $0xFFFFF80, s18  }
0x28: {  	s3 =	simm.s32 $0x2500;
	s0 =	sadd.s32 s1, s0  }
0x29: {  	[tilespmem:s3], [sflag:$0x1] =	stream.strided.gather [hbm4b:s0+s10], $0x2000, s11, s10, $0x38;
	[tilespmem:$0x18700] =	vst v63  }
0x2a: {  	s3 =	spop (v2sf)  }
0x2b: {  	s0 =	sand.u32 $0xFFFFF80, s3  }
0x2c: {  	s14 =	simm.s32 $0xE500;
	s0 =	sadd.s32 s2, s0  }
0x2d: {  	[tilespmem:s14], [sflag:$0x2] =	stream.strided.gather [hbm4b:s0+s10], $0x2000, s11, s10, $0x38;
	[tilespmem:$0x18700] =	vst v63  }
0x2e: {  	v5 =	vld [tilespmem:$0x2];
	_ =	sdelay $0x1  }
0x2f: {  	v6 =	vld [tilespmem:$0x282];
	_ =	sdelay $0x2  }
0x30: {  	(v2sf) =	vpush v5, $0x0;
	_ =	sdelay $0x1  }
0x31: {  	(v2sf) =	vpush v6, $0x0;
	_ =	sdelay $0xc  }
0x32: {  	s15 =	spop (v2sf)  }
0x33: {  	s0 =	sand.u32 $0xFFFFF80, s15  }
0x34: {  	s16 =	simm.s32 $0x4500;
	s17 =	spop (v2sf);
	s0 =	sadd.s32 s1, s0  }
0x35: {  	[tilespmem:s16], [sflag:$0x1] =	stream.strided.gather [hbm4b:s0+s10], $0x2000, s11, s10, $0x38;
	[tilespmem:$0x18700] =	vst v63  }
0x36: {  	s0 =	sand.u32 $0xFFFFF80, s17  }
0x37: {  	s18 =	simm.s32 $0x10500;
	s0 =	sadd.s32 s2, s0  }
0x38: {  	[tilespmem:s18], [sflag:$0x2] =	stream.strided.gather [hbm4b:s0+s10], $0x2000, s11, s10, $0x38;
	[tilespmem:$0x18700] =	vst v63  }
0x39: {  	v5 =	vld [tilespmem:$0x3];
	_ =	sdelay $0x1  }
0x3a: {  	v6 =	vld [tilespmem:$0x283];
	_ =	sdelay $0x2  }
0x3b: {  	(v2sf) =	vpush v5, $0x0;
	_ =	sdelay $0x1  }
0x3c: {  	(v2sf) =	vpush v6, $0x0;
	_ =	sdelay $0xc  }
0x3d: {  	s3 =	spop (v2sf)  }
0x3e: {  	s0 =	sand.u32 $0xFFFFF80, s3  }
0x3f: {  	s14 =	simm.s32 $0x6500;
	s15 =	spop (v2sf);
	s0 =	sadd.s32 s1, s0  }
0x40: {  	[tilespmem:s14], [sflag:$0x1] =	stream.strided.gather [hbm4b:s0+s10], $0x2000, s11, s10, $0x38;
	[tilespmem:$0x18700] =	vst v63  }
0x41: {  	s0 =	sand.u32 $0xFFFFF80, s15  }
0x42: {  	s0 =	sadd.s32 s2, s0  }
0x43: {  	[tilespmem:s19], [sflag:$0x2] =	stream.strided.gather [hbm4b:s0+s10], $0x2000, s11, s10, $0x38;
	[tilespmem:$0x18700] =	vst v63  }
0x44: {  	v5 =	vld [tilespmem:$0x4];
	_ =	sdelay $0x1  }
0x45: {  	v6 =	vld [tilespmem:$0x284];
	_ =	sdelay $0x2  }
0x46: {  	(v2sf) =	vpush v5, $0x0;
	_ =	sdelay $0x1  }
0x47: {  	(v2sf) =	vpush v6, $0x0;
	_ =	sdelay $0xc  }
0x48: {  	s16 =	spop (v2sf)  }
0x49: {  	s0 =	sand.u32 $0xFFFFF80, s16  }
0x4a: {  	s17 =	spop (v2sf);
	s0 =	sadd.s32 s1, s0  }
0x4b: {  	[tilespmem:s20], [sflag:$0x1] =	stream.strided.gather [hbm4b:s0+s10], $0x2000, s11, s10, $0x38;
	[tilespmem:$0x18700] =	vst v63  }
0x4c: {  	s0 =	sand.u32 $0xFFFFF80, s17  }
0x4d: {  	s0 =	sadd.s32 s2, s0  }
0x4e: {  	[tilespmem:s21], [sflag:$0x2] =	stream.strided.gather [hbm4b:s0+s10], $0x2000, s11, s10, $0x38;
	[tilespmem:$0x18700] =	vst v63  }
0x4f: {  	_ =	swait.ge [sflag:s22], $0x2000  }
0x50: {  	[sflag:s22] =	ssyncset.done $0x0  }
0x51: {  	[sflag:s22] =	ssyncadd.s32 $0xFFFFE000  }
0x52: {  	_ =	swait.ge [sflag:s23], $0x2000  }
0x53: {  	[sflag:s23] =	ssyncset.done $0x0  }
0x54: {  	p0 =	por $0x0, $0x0;
	[sflag:s23] =	ssyncadd.s32 $0xFFFFE000  }
0x55: {  	v5 =	vld @!p0 [tilespmem:s4+$0x5];
	_ =	sdelay $0x3  }
0x56: {  	v6 =	vld @!p0 [tilespmem:s26+$0x5]  }
0x57: {  	(v2sf) =	vpush @!p0 v5, $0x0;
	_ =	sdelay $0x3  }
0x58: {  	(v2sf) =	vpush @!p0 v6, $0x0;
	_ =	sdelay $0x4  }
0x59: {  	s0 =	simm.s32 @!p0 $0x5  }
0x5a: {  	s0 =	smul.u32 @!p0 $0xAAAB, s0;
	_ =	sdelay $0x1  }
0x5b: {  	s0 =	sshrl.u32 @!p0 s0, $0x11  }
0x5c: {  	s0 =	sand.u32 @!p0 $0x6, s0  }
0x5d: {  	s0 =	sadd.s32 @!p0 $0x5, s0  }
0x5e: {  	s30 =	simm.s32 @!p0 $0x7A1400;
	s0 =	sshll.u32 @!p0 s0, $0xD;
	s28 =	spop @!p0 (v2sf)  }
0x5f: {  	s0 =	sand.u32 @!p0 $0xE000, s0;
	s28 =	sand.u32 @!p0 $0xFFFFF80, s28  }
0x60: {  	s31 =	simm.s32 @!p0 $0x400;
	s29 =	sor.u32 @!p0 $0x500, s0;
	s28 =	sadd.s32 @!p0 s1, s28  }
0x61: {  	[tilespmem:s29], [sflag:$0x1] =	stream.strided.gather @!p0 [hbm4b:s28+s31], $0x2000, s30, s31, $0x38;
	[tilespmem:$0x18700] =	vst v63  }
0x62: {  	s28 =	spop @!p0 (v2sf)  }
0x63: {  	s28 =	sand.u32 @!p0 $0xFFFFF80, s28  }
0x64: {  	s0 =	sadd.s32 @!p0 $0xC500, s0;
	s28 =	sadd.s32 @!p0 s2, s28  }
0x65: {  	[tilespmem:s0], [sflag:$0x2] =	stream.strided.gather @!p0 [hbm4b:s28+s31], $0x2000, s30, s31, $0x38;
	[tilespmem:$0x18700] =	vst v63  }
0x66: {  	v5 =	vld [tilespmem:s4+$0x0]  }
0x67: {  	v6 =	vld [tilespmem:s26+$0x0];
	_ =	sdelay $0x3  }
0x68: {  	(v2sf) =	vpush v5, $0x0  }
0x69: {  	(v2sf) =	vpush v6, $0x0;
	_ =	sdelay $0x6  }
0x6a: {  	s18 =	smul.u32 $0xAAAB, s4;
	_ =	sdelay $0x1  }
0x6b: {  	s0 =	sshrl.u32 s18, $0x12  }
0x6c: {  	s0 =	smul.u32 $0x6, s0;
	_ =	sdelay $0x1  }
0x6d: {  	s0 =	ssub.s32 $0x0, s0  }
0x6e: {  	s0 =	sand.u32 $0xFFFF, s0  }
0x6f: {  	s0 =	sshll.u32 s0, $0xD;
	s28 =	spop (v2sf)  }
0x70: {  	v5 =	vor.u32 s0, v1;
	s28 =	sand.u32 $0x7F, s28;
	s29 =	spop (v2sf)  }
0x71: {  	s29 =	sand.u32 $0x7F, s29;
	v6 =	vor.u32 s28, v5  }
0x72: {  	v7 =	vor.u32 s0, v2;
	v5 =	vor.u32 s29, v5  }
0x73: {  	v8 =	vor.u32 s29, v7  }
0x74: {  	v9 =	vor.u32 s0, v3;
	v7 =	vor.u32 s28, v7  }
0x75: {  	v10 =	vor.u32 s29, v9  }
0x76: {  	v11 =	vor.u32 s0, v4;
	v9 =	vor.u32 s28, v9;
	v6 =	vld.idx.msk [tilespmem:v6+s12+$0x0], $0xffff  }
0x77: {  	v12 =	vor.u32 s29, v11;
	v5 =	vld.idx.msk [tilespmem:v5+s13+$0x0], $0xffff  }
0x78: {  	v11 =	vor.u32 s28, v11;
	v8 =	vld.idx.msk [tilespmem:v8+s13+$0x0], $0xffff  }
0x79: {  	v7 =	vld.idx.msk [tilespmem:v7+s12+$0x0], $0xffff  }
0x7a: {  	v10 =	vld.idx.msk [tilespmem:v10+s13+$0x0], $0xffff  }
0x7b: {  	v9 =	vld.idx.msk [tilespmem:v9+s12+$0x0], $0xffff  }
0x7c: {  	v12 =	vld.idx.msk [tilespmem:v12+s13+$0x0], $0xffff;
	v5 =	vmul.f32 v5, v6  }
0x7d: {  	v6 =	vld.idx.msk [tilespmem:v11+s12+$0x0], $0xffff  }
0x7e: {  	v7 =	vmul.f32 v8, v7;
	v5 =	vadd.f32 $0.0e+00, v5;
	_ =	sdelay $0x1  }
0x7f: {  	v5 =	vadd.f32 v7, v5;
	v7 =	vmul.f32 v10, v9;
	_ =	sdelay $0x1  }
0x80: {  	v6 =	vmul.f32 v12, v6;
	v5 =	vadd.f32 v7, v5;
	_ =	sdelay $0x1  }
0x81: {  	v6 =	vadd.f32 v6, v5;
	_ =	sdelay $0x1  }
0x82: {  	(xrf2) =	vadd.scan.msk.f32 $0xffff, v6;
	_ =	sdelay $0x5  }
0x83: {  	s30 =	simm.s32 $0x184F2;
	s31 =	simm.s32 $0x0  }
0x84: {  	s0 =	simm.s32 $0x0;
	s28 =	simm.s32 $0x184F1;
	s29 =	simm.s32 $0x1;
	v5 =	vimm.f32 $0.0e+00  }
.LBB2_2:
0x85: {  	s31 =	sadd.s32 $0x1, s31  }
0x86: {  	s26 =	sadd.s32 $0x1, s26;
	s3 =	smov.u32 s29;
	s29 =	sadd.s32 $0x1, s29  }
0x87: {  	s14 =	sand.u32 $0xF, s0;
	p0 =	sne.s32 s29, $0x200;
	v6, _, _ =	vpop (xrf2);
	s0 =	smov.u32 s3  }
0x88: {  	p1 =	seq.s32 s14, $0x0;
	v7 =	vmov s14;
	v6 =	vbroadcast v6, $0xF  }
0x89: {  	v5 =	vpsel p1, $0x0, v5;
	vm0 =	veq.s32 v7, v0  }
0x8a: {  	p1 =	sne.s32 s14, $0xF;
	v5 =	vsel vm0, v6, v5  }
0x8b: {  	[tilespmem:s28+$0x0] =	vst @!p1 v5;
	s28 =	smov.u32 s30  }
0x8c: {  	_ =	swait.ge [sflag:s22], $0x2000  }
0x8d: {  	[sflag:s22] =	ssyncset.done $0x0  }
0x8e: {  	[sflag:s22] =	ssyncadd.s32 $0xFFFFE000  }
0x8f: {  	_ =	swait.ge [sflag:s23], $0x2000  }
0x90: {  	[sflag:s23] =	ssyncset.done $0x0  }
0x91: {  	p1 =	sgt.u32 s0, $0x1FA;
	[sflag:s23] =	ssyncadd.s32 $0xFFFFE000  }
0x92: {  	s3 =	sadd.s32 @!p1 $0x5, s0;
	v6 =	vld @!p1 [tilespmem:s31+$0x5]  }
0x93: {  	s14 =	smul.u32 @!p1 $0xAAAB, s3;
	v7 =	vld @!p1 [tilespmem:s26+$0x5];
	_ =	sdelay $0x1  }
0x94: {  	s14 =	sshrl.u32 @!p1 s14, $0x11  }
0x95: {  	s14 =	sand.u32 @!p1 $0x6, s14  }
0x96: {  	s3 =	sadd.s32 @!p1 s14, s3;
	(v2sf) =	vpush @!p1 v6, $0x0  }
0x97: {  	s3 =	sshll.u32 @!p1 s3, $0xD;
	(v2sf) =	vpush @!p1 v7, $0x0  }
0x98: {  	s3 =	sand.u32 @!p1 $0xE000, s3  }
0x99: {  	s14 =	sor.u32 @!p1 $0x500, s3;
	s3 =	sadd.s32 @!p1 $0xC500, s3;
	_ =	sdelay $0xb  }
0x9a: {  	s15 =	spop @!p1 (v2sf)  }
0x9b: {  	s16 =	simm.s32 @!p1 $0x7A1400;
	s15 =	sand.u32 @!p1 $0xFFFFF80, s15;
	s17 =	spop @!p1 (v2sf)  }
0x9c: {  	s18 =	simm.s32 @!p1 $0x400;
	s15 =	sadd.s32 @!p1 s1, s15;
	s17 =	sand.u32 @!p1 $0xFFFFF80, s17  }
0x9d: {  	[tilespmem:s14], [sflag:$0x1] =	stream.strided.gather @!p1 [hbm4b:s15+s18], $0x2000, s16, s18, $0x38;
	[tilespmem:$0x18700] =	vst v63  }
0x9e: {  	s14 =	sadd.s32 @!p1 s2, s17  }
0x9f: {  	[tilespmem:s3], [sflag:$0x2] =	stream.strided.gather @!p1 [hbm4b:s14+s18], $0x2000, s16, s18, $0x38;
	[tilespmem:$0x18700] =	vst v63  }
0xa0: {  	v6 =	vld [tilespmem:s31+$0x0]  }
0xa1: {  	v7 =	vld [tilespmem:s26+$0x0];
	_ =	sdelay $0x3  }
0xa2: {  	(v2sf) =	vpush v6, $0x0  }
0xa3: {  	(v2sf) =	vpush v7, $0x0;
	_ =	sdelay $0x6  }
0xa4: {  	s3 =	smul.u32 $0xAAAB, s0;
	_ =	sdelay $0x1  }
0xa5: {  	s3 =	sshrl.u32 s3, $0x12  }
0xa6: {  	s3 =	smul.u32 $0x6, s3;
	_ =	sdelay $0x1  }
0xa7: {  	s3 =	ssub.s32 s0, s3  }
0xa8: {  	s3 =	sand.u32 $0xFFFF, s3  }
0xa9: {  	s3 =	sshll.u32 s3, $0xD;
	s14 =	spop (v2sf)  }
0xaa: {  	v6 =	vor.u32 s3, v1;
	v7 =	vor.u32 s3, v2;
	v8 =	vor.u32 s3, v3;
	s14 =	sand.u32 $0x7F, s14;
	s15 =	spop (v2sf)  }
0xab: {  	v11 =	vor.u32 s3, v4;
	s15 =	sand.u32 $0x7F, s15;
	v9 =	vor.u32 s14, v6;
	v10 =	vor.u32 s14, v7  }
0xac: {  	v6 =	vor.u32 s15, v6;
	v7 =	vor.u32 s15, v7;
	v12 =	vor.u32 s15, v8  }
0xad: {  	v13 =	vor.u32 s14, v11;
	v8 =	vor.u32 s14, v8;
	v11 =	vor.u32 s15, v11;
	_ =	sdelay $0x2  }
0xae: {  	v9 =	vld.idx.msk [tilespmem:v9+s12+$0x0], $0xffff  }
0xaf: {  	v6 =	vld.idx.msk [tilespmem:v6+s13+$0x0], $0xffff  }
0xb0: {  	v7 =	vld.idx.msk [tilespmem:v7+s13+$0x0], $0xffff  }
0xb1: {  	v10 =	vld.idx.msk [tilespmem:v10+s12+$0x0], $0xffff  }
0xb2: {  	v12 =	vld.idx.msk [tilespmem:v12+s13+$0x0], $0xffff  }
0xb3: {  	v8 =	vld.idx.msk [tilespmem:v8+s12+$0x0], $0xffff  }
0xb4: {  	v11 =	vld.idx.msk [tilespmem:v11+s13+$0x0], $0xffff  }
0xb5: {  	v6 =	vmul.f32 v6, v9;
	v9 =	vld.idx.msk [tilespmem:v13+s12+$0x0], $0xffff;
	_ =	sdelay $0x1  }
0xb6: {  	v6 =	vadd.f32 $0.0e+00, v6;
	v7 =	vmul.f32 v7, v10;
	_ =	sdelay $0x1  }
0xb7: {  	v6 =	vadd.f32 v7, v6;
	v7 =	vmul.f32 v12, v8;
	_ =	sdelay $0x1  }
0xb8: {  	v6 =	vadd.f32 v7, v6;
	v7 =	vmul.f32 v11, v9;
	_ =	sdelay $0x1  }
0xb9: {  	v6 =	vadd.f32 v7, v6;
	_ =	sdelay $0x1  }
0xba: {  	(xrf2) =	vadd.scan.msk.f32 $0xffff, v6;
	_ =	sdelay $0x3  }
.Ltmp0:
0xbb: {  	(pc) =	sbr.rel @p0 .LBB2_2-.Ltmp0, $2  }
0xbc: {  	_ =	sdelay $0x2  }
0xbd: {  	s30 =	sadd.s32 $0x1, s30  }
0xbe: {  	_ = 	snop  }
0xbf: {  	s0 =	sand.u32 $0xF, s0;
	v6, _, _ =	vpop (xrf2)  }
0xc0: {  	p0 =	seq.s32 s0, $0x0;
	v7 =	vmov s0;
	v6 =	vbroadcast v6, $0xF  }
0xc1: {  	v5 =	vpsel p0, $0x0, v5;
	vm0 =	veq.s32 v7, v0  }
0xc2: {  	s25 =	sadd.s32 $0x1, s25;
	p0 =	sne.s32 s0, $0xF;
	v5 =	vsel vm0, v6, v5  }
0xc3: {  	[tilespmem:s28+$0x0] =	vst @!p0 v5;
	p0 =	sne.s32 s25, s8  }
.Ltmp1:
0xc4: {  	_ = 	snop;
	(pc) =	sbr.rel @p0 .LBB2_1-.Ltmp1, $4  }
0xc5: {  	[hbm4b:s7+s4] =	stream.linear.scatter [tilespmem:s24], [sflag:$0x3], $0x200, $0x38;
	[tilespmem:$0x18700] =	vst v63  }
0xc6: {  	_ =	swait.ge [sflag:s9], $0x200  }
0xc7: {  	[sflag:s9] =	ssyncset.done $0x0  }
0xc8: {  	[sflag:s9] =	ssyncadd.s32 $0xFFFFFE00  }
0xc9: {  	_ =	sfence.sel $0x180000  }
0xca: {  	[bflag:$0x0] =	sbarrier.arrive $0xFFFF  }
0xcb: {  	_ =	strace $0x90000047  }
0xcc: {  	s0 =	stileid.u32;
	[bflag:$0x2] =	sbarrier.arrive $0xFFFF  }
0xcd: {  	p0 =	sne.s32 s0, $0x0;
	s0 =	rddreg [dreg:$0x5]  }
0xce: {  	s0 =	sadd.s32 @!p0 $0x100000, s0  }
0xcf: {  	[sflag:s0] =	ssyncadd.tile.s32 @!p0 $0x1;
	_ =	shalt  }
.Lfunc_end2:
_tile_overlayer_lowered:
.L_overlay_start_2:
0xd0: {  	(tag) =	ssettag $0x2  }
0xd1: {  	s0 =	rddreg [dreg:$0x0];
	s2 =	stileid.u32  }
0xd2: {  	s1 =	rddreg [dreg:$0x1];
	p0 =	sne.s32 s2, $0x0  }
0xd3: {  	s3 =	rddreg [dreg:$0x2];
	[bflag:$0x3] =	sbarrier.arrive $0xFFFF;
	s2 =	simm.s32 @!p0 $0x1C03  }
0xd4: {  	[timem:s3], [sflag:s2] =	dma.local @!p0 [hbm:s0], s1  }
0xd5: {  	s0 =	simm.s32 @!p0 $0x3  }
0xd6: {  	_ =	swait.ge @!p0 [sflag:s0], s1  }
0xd7: {  	s1 =	ssub.s32 @!p0 $0x0, s1;
	[sflag:s0] =	ssyncset.done @!p0 $0x0  }
0xd8: {  	[sflag:s0] =	ssyncadd.s32 @!p0 s1  }
0xd9: {  	[bflag:$0x3] =	sbarrier.arrive $0xFFFF  }
0xda: {  	_ =	shalt  }

</sc_bundles>
